<compile_context>
chip_gen: v7x
topology: tpu7x:2x2x1
jax: 0.10.2.dev20260603
libtpu: 0.0.44.dev20260713+nightly
codegen_flags: <defaults>
</compile_context>

<pallas_src>
import functools
import jax
import jax.numpy as jnp
from jax import lax
from jax.experimental import pallas as pl
from jax.experimental.pallas import tpu as pltpu
from jax.experimental.pallas import tpu_sc as plsc

EMBED_DIM = 64
FFN_DIM = 128
NUM_EXPERTS = 4
NEG_INF = float("-inf")


def _logits_kernel(x_ref, wg_ref, o_ref, wgs):
    @pl.when(pl.program_id(0) == 0)
    def _prep():
        wgs[:] = jnp.transpose(wg_ref[:], (1, 0))
    o_ref[:] = jax.lax.dot_general(
        wgs[:], x_ref[:], (((1,), (0,)), ((), ())),
        preferred_element_type=jnp.float32)


def _make_sc_router(T):
    info = plsc.get_sparse_core_info()
    NC, NS, L = info.num_cores, info.num_subcores, info.num_lanes
    NW = NC * NS
    per_w = T // NW
    n_iter = per_w // L
    mesh = plsc.VectorSubcoreMesh(core_axis_name="c", subcore_axis_name="s")

    @functools.partial(
        pl.kernel, mesh=mesh,
        out_type=jax.ShapeDtypeStruct((4, T), jnp.float32),
        scratch_types=[
            pltpu.VMEM((4, per_w), jnp.float32),
            pltpu.VMEM((4, per_w), jnp.float32),
        ],
    )
    def router(lt_hbm, out_hbm, lv, wv):
        wid = lax.axis_index("s") * NC + lax.axis_index("c")
        base = wid * per_w
        for r in range(4):
            pltpu.sync_copy(lt_hbm.at[r, pl.ds(base, per_w)], lv.at[r])

        def body(i, _):
            s = pl.ds(i * L, L)
            l0 = lv[0, s]
            l1 = lv[1, s]
            l2 = lv[2, s]
            l3 = lv[3, s]
            m1 = jnp.maximum(jnp.maximum(l0, l1), jnp.maximum(l2, l3))
            i0 = jnp.full((L,), 0, jnp.int32)
            i1_ = jnp.full((L,), 1, jnp.int32)
            i2_ = jnp.full((L,), 2, jnp.int32)
            i3_ = jnp.full((L,), 3, jnp.int32)
            idx1 = jnp.where(l0 == m1, i0,
                             jnp.where(l1 == m1, i1_,
                                       jnp.where(l2 == m1, i2_, i3_)))
            ninf = jnp.full((L,), NEG_INF, jnp.float32)
            l0m = jnp.where(idx1 == 0, ninf, l0)
            l1m = jnp.where(idx1 == 1, ninf, l1)
            l2m = jnp.where(idx1 == 2, ninf, l2)
            l3m = jnp.where(idx1 == 3, ninf, l3)
            m2 = jnp.maximum(jnp.maximum(l0m, l1m), jnp.maximum(l2m, l3m))
            idx2 = jnp.where(l0m == m2, i0,
                             jnp.where(l1m == m2, i1_,
                                       jnp.where(l2m == m2, i2_, i3_)))
            p1 = 1.0 / (1.0 + jnp.exp(m2 - m1))
            p2 = 1.0 - p1
            zero = jnp.zeros((L,), jnp.float32)
            for e in range(4):
                wv[e, s] = jnp.where(idx1 == e, p1,
                                     jnp.where(idx2 == e, p2, zero))
            return ()

        lax.fori_loop(0, n_iter, body, ())
        for r in range(4):
            pltpu.sync_copy(wv.at[r], out_hbm.at[r, pl.ds(base, per_w)])

    return router


def _ffn_kernel(x_ref, wt_ref, w1_ref, b1_ref, w2t_ref, b2_ref, o_ref,
                w1s, w2s, b1s, b2s):
    D, F, E = EMBED_DIM, FFN_DIM, NUM_EXPERTS

    @pl.when(pl.program_id(0) == 0)
    def _prep():
        w2s[:] = jnp.zeros((E * D, E * F), jnp.float32)
        for e in range(E):
            w1s[e * F:(e + 1) * F, :] = jnp.transpose(w1_ref[e], (1, 0))
            w2s[e * D:(e + 1) * D, e * F:(e + 1) * F] = w2t_ref[e]
            b1s[e * F:(e + 1) * F, 0:1] = jnp.transpose(b1_ref[e:e + 1, :],
                                                        (1, 0))
            b2s[e * D:(e + 1) * D, 0:1] = jnp.transpose(b2_ref[e:e + 1, :],
                                                        (1, 0))

    xb = x_ref[:]
    wT = wt_ref[:]
    hT = jax.lax.dot_general(
        w1s[:], xb, (((1,), (0,)), ((), ())),
        preferred_element_type=jnp.float32) + b1s[:]
    hT = jnp.maximum(hT, 0.0)
    out_aT = jax.lax.dot_general(
        w2s[:], hT, (((1,), (0,)), ((), ())),
        preferred_element_type=jnp.float32)
    row_e = jax.lax.broadcasted_iota(jnp.int32, (E * D, E), 0) // D
    col_e = jax.lax.broadcasted_iota(jnp.int32, (E * D, E), 1)
    ex = jnp.where(row_e == col_e, 1.0, 0.0).astype(jnp.float32)
    wcolT = jax.lax.dot_general(
        ex, wT, (((1,), (0,)), ((), ())),
        preferred_element_type=jnp.float32)
    scaled = (out_aT + b2s[:]) * wcolT
    o_ref[:] = (scaled[0:D, :] + scaled[D:2 * D, :]
                + scaled[2 * D:3 * D, :] + scaled[3 * D:4 * D, :])


def kernel(x, Wg, W1, b1, W2, b2):
    x = x.reshape(-1, x.shape[-1])
    T, D = x.shape
    E, _, F = W1.shape
    xT = x.T
    W2t = W2.transpose(0, 2, 1)

    TB = 1024
    grid = (T // TB,)

    lT = pl.pallas_call(
        _logits_kernel,
        grid=grid,
        in_specs=[
            pl.BlockSpec((D, TB), lambda i: (0, i)),
            pl.BlockSpec((D, E), lambda i: (0, 0)),
        ],
        out_specs=pl.BlockSpec((E, TB), lambda i: (0, i)),
        out_shape=jax.ShapeDtypeStruct((E, T), jnp.float32),
        scratch_shapes=[pltpu.VMEM((E, D), jnp.float32)],
        compiler_params=pltpu.CompilerParams(
            dimension_semantics=("arbitrary",)),
    )(xT, Wg)

    wT = _make_sc_router(T)(lT)

    outT = pl.pallas_call(
        _ffn_kernel,
        grid=grid,
        in_specs=[
            pl.BlockSpec((D, TB), lambda i: (0, i)),
            pl.BlockSpec((E, TB), lambda i: (0, i)),
            pl.BlockSpec((E, D, F), lambda i: (0, 0, 0)),
            pl.BlockSpec((E, F), lambda i: (0, 0)),
            pl.BlockSpec((E, D, F), lambda i: (0, 0, 0)),
            pl.BlockSpec((E, D), lambda i: (0, 0)),
        ],
        out_specs=pl.BlockSpec((D, TB), lambda i: (0, i)),
        out_shape=jax.ShapeDtypeStruct((D, T), jnp.float32),
        scratch_shapes=[
            pltpu.VMEM((E * F, D), jnp.float32),
            pltpu.VMEM((E * D, E * F), jnp.float32),
            pltpu.VMEM((E * F, 1), jnp.float32),
            pltpu.VMEM((E * D, 1), jnp.float32),
        ],
        compiler_params=pltpu.CompilerParams(
            dimension_semantics=("arbitrary",)),
    )(xT, wT, W1, b1, W2t, b2)
    return outT.T

# --- scband reference (transcript-rebuilt; emitter-appended) ---
"""Pipeline reference for scband-mo-e-13941463843216 (READ-ONLY COPY).

The authoritative reference and input builder live on the scoring server;
editing this copy changes nothing except your own understanding.
"""

import jax, jax.numpy as jnp
import numpy as np

EMBED_DIM = 64
FFN_DIM = 128
NUM_EXPERTS = 4
TOP_K = 2


def setup_inputs(seed: int = 0) -> dict:
    key = jax.random.key(seed)
    ks = jax.random.split(key, 8)
    T = 4 * 8192
    x = jax.random.normal(ks[0], (T, EMBED_DIM), dtype=jnp.float32)
    # gate: Linear(EMBED_DIM, NUM_EXPERTS, bias=False)
    Wg = jax.random.normal(ks[1], (EMBED_DIM, NUM_EXPERTS), dtype=jnp.float32) * (1.0 / np.sqrt(EMBED_DIM))
    # experts: Linear(64,128) + ReLU + Linear(128,64), stacked over experts
    W1 = jax.random.normal(ks[2], (NUM_EXPERTS, EMBED_DIM, FFN_DIM), dtype=jnp.float32) * (1.0 / np.sqrt(EMBED_DIM))
    b1 = jax.random.normal(ks[3], (NUM_EXPERTS, FFN_DIM), dtype=jnp.float32) * 0.01
    W2 = jax.random.normal(ks[4], (NUM_EXPERTS, FFN_DIM, EMBED_DIM), dtype=jnp.float32) * (1.0 / np.sqrt(FFN_DIM))
    b2 = jax.random.normal(ks[5], (NUM_EXPERTS, EMBED_DIM), dtype=jnp.float32) * 0.01
    return {"x": x, "Wg": Wg, "W1": W1, "b1": b1, "W2": W2, "b2": b2}


def reference(x, Wg, W1, b1, W2, b2):
    # MoE.forward
    x = x.reshape(-1, x.shape[-1])  # [T, D]
    T = x.shape[0]
    # Gate.forward
    logits = x @ Wg  # [T, E]
    topk_logits, topk_indices = jax.lax.top_k(logits, TOP_K)  # [T, K]
    top_k_probs = jax.nn.softmax(topk_logits, axis=-1)  # [T, K]
    weights = jnp.zeros_like(logits)
    weights = weights.at[jnp.arange(T)[:, None], topk_indices].set(top_k_probs)  # [T, E]
    # Experts: run every expert FFN over all tokens, then gate-weighted sum
    h = jnp.einsum('td,edf->etf', x, W1) + b1[:, None, :]  # [E, T, F]
    h = jax.nn.relu(h)
    expert_outputs = jnp.einsum('etf,efd->etd', h, W2) + b2[:, None, :]  # [E, T, D]
    final_output = jnp.einsum('te,etd->td', weights, expert_outputs)  # [T, D]
    return final_output

if __name__ == "__main__":
    import jax
    _d = setup_inputs()
    print(jax.jit(kernel)(*tuple(_d.values())))

</pallas_src>

<mosaic_0001>
#map = affine_map<(d0, d1) -> (0, 0)>
module attributes {stable_mosaic.version = 14 : i64} {
  func.func @router(%arg0: i32, %arg1: i32, %arg2: memref<4x32768xf32, #tpu.memory_space<hbm>>, %arg3: memref<4x32768xf32, #tpu.memory_space<hbm>>, %arg4: memref<4x1024xf32, #tpu.memory_space<vmem>>, %arg5: memref<4x1024xf32, #tpu.memory_space<vmem>>) attributes {dimension_semantics = [#tpu.dimension_semantics<core_parallel>, #tpu.dimension_semantics<subcore_parallel>], iteration_bounds = array<i64: 2, 16>, scalar_prefetch = 0 : i64, scratch_operands = 2 : i64, tpu.core_type = #tpu.core_type<sc_vector_subcore>, window_params = [{transform_indices = #map}, {transform_indices = #map}]} {
    %mul3A = arith.constant 2 : i32
    %mul3A_0 = arith.muli %arg1, %mul3A : i32
    %add3A = arith.addi %mul3A_0, %arg0 : i32
    %mul3A_1 = arith.constant 1024 : i32
    %mul3A_2 = arith.muli %add3A, %mul3A_1 : i32
    %run_scoped3A = arith.constant 0 : i32
    %run_scoped3A_3 = arith.constant 0 : i32
    "tpu.region"() ({
      %run_scoped3A_22 = tpu.sem_alloc : memref<!tpu.dma_semaphore, #tpu.memory_space<semaphore_mem>>
      %dma_start3A = arith.constant 0 : i32
      %dma_start3A_23 = tpu.memref_slice %arg4[%run_scoped3A_3, %dma_start3A] : memref<4x1024xf32, #tpu.memory_space<vmem>> -> memref<1x1024xf32, #tpu.memory_space<vmem>>
      %dma_start3A_24 = tpu.memref_squeeze %dma_start3A_23 : memref<1x1024xf32, #tpu.memory_space<vmem>> -> memref<1024xf32, #tpu.memory_space<vmem>>
      %dma_start3A_25 = tpu.memref_slice %arg2[%run_scoped3A, %mul3A_2] : memref<4x32768xf32, #tpu.memory_space<hbm>> -> memref<1x1024xf32, #tpu.memory_space<hbm>>
      %dma_start3A_26 = tpu.memref_squeeze %dma_start3A_25 : memref<1x1024xf32, #tpu.memory_space<hbm>> -> memref<1024xf32, #tpu.memory_space<hbm>>
      %dma_start3A_27 = arith.constant 0 : i32
      %dma_start3A_28 = tpu.memref_slice %arg4[%run_scoped3A_3, %dma_start3A_27] : memref<4x1024xf32, #tpu.memory_space<vmem>> -> memref<1x1024xf32, #tpu.memory_space<vmem>>
      %dma_start3A_29 = tpu.memref_squeeze %dma_start3A_28 : memref<1x1024xf32, #tpu.memory_space<vmem>> -> memref<1024xf32, #tpu.memory_space<vmem>>
      %dma_start3A_30 = tpu.memref_slice %arg2[%run_scoped3A, %mul3A_2] : memref<4x32768xf32, #tpu.memory_space<hbm>> -> memref<1x1024xf32, #tpu.memory_space<hbm>>
      %dma_start3A_31 = tpu.memref_squeeze %dma_start3A_30 : memref<1x1024xf32, #tpu.memory_space<hbm>> -> memref<1024xf32, #tpu.memory_space<hbm>>
      tpu.enqueue_dma source(%dma_start3A_31 : memref<1024xf32, #tpu.memory_space<hbm>>) target(%dma_start3A_29 : memref<1024xf32, #tpu.memory_space<vmem>>) target_semaphore(%run_scoped3A_22 : memref<!tpu.dma_semaphore, #tpu.memory_space<semaphore_mem>>)
      %dma_wait3A = arith.constant 0 : i32
      %dma_wait3A_32 = tpu.memref_slice %arg4[%run_scoped3A_3, %dma_wait3A] : memref<4x1024xf32, #tpu.memory_space<vmem>> -> memref<1x1024xf32, #tpu.memory_space<vmem>>
      %dma_wait3A_33 = tpu.memref_squeeze %dma_wait3A_32 : memref<1x1024xf32, #tpu.memory_space<vmem>> -> memref<1024xf32, #tpu.memory_space<vmem>>
      %dma_wait3A_34 = tpu.memref_slice %arg2[%run_scoped3A, %mul3A_2] : memref<4x32768xf32, #tpu.memory_space<hbm>> -> memref<1x1024xf32, #tpu.memory_space<hbm>>
      %dma_wait3A_35 = tpu.memref_squeeze %dma_wait3A_34 : memref<1x1024xf32, #tpu.memory_space<hbm>> -> memref<1024xf32, #tpu.memory_space<hbm>>
      %dma_wait3A_36 = arith.constant 0 : i32
      %dma_wait3A_37 = tpu.memref_slice %arg4[%run_scoped3A_3, %dma_wait3A_36] : memref<4x1024xf32, #tpu.memory_space<vmem>> -> memref<1x1024xf32, #tpu.memory_space<vmem>>
      %dma_wait3A_38 = tpu.memref_squeeze %dma_wait3A_37 : memref<1x1024xf32, #tpu.memory_space<vmem>> -> memref<1024xf32, #tpu.memory_space<vmem>>
      %dma_wait3A_39 = tpu.memref_slice %arg2[%run_scoped3A, %mul3A_2] : memref<4x32768xf32, #tpu.memory_space<hbm>> -> memref<1x1024xf32, #tpu.memory_space<hbm>>
      %dma_wait3A_40 = tpu.memref_squeeze %dma_wait3A_39 : memref<1x1024xf32, #tpu.memory_space<hbm>> -> memref<1024xf32, #tpu.memory_space<hbm>>
      tpu.wait_dma2 semaphore(%run_scoped3A_22 : memref<!tpu.dma_semaphore, #tpu.memory_space<semaphore_mem>>) src(%dma_wait3A_40 : memref<1024xf32, #tpu.memory_space<hbm>>) dst(%dma_wait3A_38 : memref<1024xf32, #tpu.memory_space<vmem>>)
      tpu.yield
    }) : () -> ()
    %run_scoped3A_4 = arith.constant 1 : i32
    %run_scoped3A_5 = arith.constant 1 : i32
    "tpu.region"() ({
      %run_scoped3A_22 = tpu.sem_alloc : memref<!tpu.dma_semaphore, #tpu.memory_space<semaphore_mem>>
      %dma_start3A = arith.constant 0 : i32
      %dma_start3A_23 = tpu.memref_slice %arg4[%run_scoped3A_5, %dma_start3A] : memref<4x1024xf32, #tpu.memory_space<vmem>> -> memref<1x1024xf32, #tpu.memory_space<vmem>>
      %dma_start3A_24 = tpu.memref_squeeze %dma_start3A_23 : memref<1x1024xf32, #tpu.memory_space<vmem>> -> memref<1024xf32, #tpu.memory_space<vmem>>
      %dma_start3A_25 = tpu.memref_slice %arg2[%run_scoped3A_4, %mul3A_2] : memref<4x32768xf32, #tpu.memory_space<hbm>> -> memref<1x1024xf32, #tpu.memory_space<hbm>>
      %dma_start3A_26 = tpu.memref_squeeze %dma_start3A_25 : memref<1x1024xf32, #tpu.memory_space<hbm>> -> memref<1024xf32, #tpu.memory_space<hbm>>
      %dma_start3A_27 = arith.constant 0 : i32
      %dma_start3A_28 = tpu.memref_slice %arg4[%run_scoped3A_5, %dma_start3A_27] : memref<4x1024xf32, #tpu.memory_space<vmem>> -> memref<1x1024xf32, #tpu.memory_space<vmem>>
      %dma_start3A_29 = tpu.memref_squeeze %dma_start3A_28 : memref<1x1024xf32, #tpu.memory_space<vmem>> -> memref<1024xf32, #tpu.memory_space<vmem>>
      %dma_start3A_30 = tpu.memref_slice %arg2[%run_scoped3A_4, %mul3A_2] : memref<4x32768xf32, #tpu.memory_space<hbm>> -> memref<1x1024xf32, #tpu.memory_space<hbm>>
      %dma_start3A_31 = tpu.memref_squeeze %dma_start3A_30 : memref<1x1024xf32, #tpu.memory_space<hbm>> -> memref<1024xf32, #tpu.memory_space<hbm>>
      tpu.enqueue_dma source(%dma_start3A_31 : memref<1024xf32, #tpu.memory_space<hbm>>) target(%dma_start3A_29 : memref<1024xf32, #tpu.memory_space<vmem>>) target_semaphore(%run_scoped3A_22 : memref<!tpu.dma_semaphore, #tpu.memory_space<semaphore_mem>>)
      %dma_wait3A = arith.constant 0 : i32
      %dma_wait3A_32 = tpu.memref_slice %arg4[%run_scoped3A_5, %dma_wait3A] : memref<4x1024xf32, #tpu.memory_space<vmem>> -> memref<1x1024xf32, #tpu.memory_space<vmem>>
      %dma_wait3A_33 = tpu.memref_squeeze %dma_wait3A_32 : memref<1x1024xf32, #tpu.memory_space<vmem>> -> memref<1024xf32, #tpu.memory_space<vmem>>
      %dma_wait3A_34 = tpu.memref_slice %arg2[%run_scoped3A_4, %mul3A_2] : memref<4x32768xf32, #tpu.memory_space<hbm>> -> memref<1x1024xf32, #tpu.memory_space<hbm>>
      %dma_wait3A_35 = tpu.memref_squeeze %dma_wait3A_34 : memref<1x1024xf32, #tpu.memory_space<hbm>> -> memref<1024xf32, #tpu.memory_space<hbm>>
      %dma_wait3A_36 = arith.constant 0 : i32
      %dma_wait3A_37 = tpu.memref_slice %arg4[%run_scoped3A_5, %dma_wait3A_36] : memref<4x1024xf32, #tpu.memory_space<vmem>> -> memref<1x1024xf32, #tpu.memory_space<vmem>>
      %dma_wait3A_38 = tpu.memref_squeeze %dma_wait3A_37 : memref<1x1024xf32, #tpu.memory_space<vmem>> -> memref<1024xf32, #tpu.memory_space<vmem>>
      %dma_wait3A_39 = tpu.memref_slice %arg2[%run_scoped3A_4, %mul3A_2] : memref<4x32768xf32, #tpu.memory_space<hbm>> -> memref<1x1024xf32, #tpu.memory_space<hbm>>
      %dma_wait3A_40 = tpu.memref_squeeze %dma_wait3A_39 : memref<1x1024xf32, #tpu.memory_space<hbm>> -> memref<1024xf32, #tpu.memory_space<hbm>>
      tpu.wait_dma2 semaphore(%run_scoped3A_22 : memref<!tpu.dma_semaphore, #tpu.memory_space<semaphore_mem>>) src(%dma_wait3A_40 : memref<1024xf32, #tpu.memory_space<hbm>>) dst(%dma_wait3A_38 : memref<1024xf32, #tpu.memory_space<vmem>>)
      tpu.yield
    }) : () -> ()
    %run_scoped3A_6 = arith.constant 2 : i32
    %run_scoped3A_7 = arith.constant 2 : i32
    "tpu.region"() ({
      %run_scoped3A_22 = tpu.sem_alloc : memref<!tpu.dma_semaphore, #tpu.memory_space<semaphore_mem>>
      %dma_start3A = arith.constant 0 : i32
      %dma_start3A_23 = tpu.memref_slice %arg4[%run_scoped3A_7, %dma_start3A] : memref<4x1024xf32, #tpu.memory_space<vmem>> -> memref<1x1024xf32, #tpu.memory_space<vmem>>
      %dma_start3A_24 = tpu.memref_squeeze %dma_start3A_23 : memref<1x1024xf32, #tpu.memory_space<vmem>> -> memref<1024xf32, #tpu.memory_space<vmem>>
      %dma_start3A_25 = tpu.memref_slice %arg2[%run_scoped3A_6, %mul3A_2] : memref<4x32768xf32, #tpu.memory_space<hbm>> -> memref<1x1024xf32, #tpu.memory_space<hbm>>
      %dma_start3A_26 = tpu.memref_squeeze %dma_start3A_25 : memref<1x1024xf32, #tpu.memory_space<hbm>> -> memref<1024xf32, #tpu.memory_space<hbm>>
      %dma_start3A_27 = arith.constant 0 : i32
      %dma_start3A_28 = tpu.memref_slice %arg4[%run_scoped3A_7, %dma_start3A_27] : memref<4x1024xf32, #tpu.memory_space<vmem>> -> memref<1x1024xf32, #tpu.memory_space<vmem>>
      %dma_start3A_29 = tpu.memref_squeeze %dma_start3A_28 : memref<1x1024xf32, #tpu.memory_space<vmem>> -> memref<1024xf32, #tpu.memory_space<vmem>>
      %dma_start3A_30 = tpu.memref_slice %arg2[%run_scoped3A_6, %mul3A_2] : memref<4x32768xf32, #tpu.memory_space<hbm>> -> memref<1x1024xf32, #tpu.memory_space<hbm>>
      %dma_start3A_31 = tpu.memref_squeeze %dma_start3A_30 : memref<1x1024xf32, #tpu.memory_space<hbm>> -> memref<1024xf32, #tpu.memory_space<hbm>>
      tpu.enqueue_dma source(%dma_start3A_31 : memref<1024xf32, #tpu.memory_space<hbm>>) target(%dma_start3A_29 : memref<1024xf32, #tpu.memory_space<vmem>>) target_semaphore(%run_scoped3A_22 : memref<!tpu.dma_semaphore, #tpu.memory_space<semaphore_mem>>)
      %dma_wait3A = arith.constant 0 : i32
      %dma_wait3A_32 = tpu.memref_slice %arg4[%run_scoped3A_7, %dma_wait3A] : memref<4x1024xf32, #tpu.memory_space<vmem>> -> memref<1x1024xf32, #tpu.memory_space<vmem>>
      %dma_wait3A_33 = tpu.memref_squeeze %dma_wait3A_32 : memref<1x1024xf32, #tpu.memory_space<vmem>> -> memref<1024xf32, #tpu.memory_space<vmem>>
      %dma_wait3A_34 = tpu.memref_slice %arg2[%run_scoped3A_6, %mul3A_2] : memref<4x32768xf32, #tpu.memory_space<hbm>> -> memref<1x1024xf32, #tpu.memory_space<hbm>>
      %dma_wait3A_35 = tpu.memref_squeeze %dma_wait3A_34 : memref<1x1024xf32, #tpu.memory_space<hbm>> -> memref<1024xf32, #tpu.memory_space<hbm>>
      %dma_wait3A_36 = arith.constant 0 : i32
      %dma_wait3A_37 = tpu.memref_slice %arg4[%run_scoped3A_7, %dma_wait3A_36] : memref<4x1024xf32, #tpu.memory_space<vmem>> -> memref<1x1024xf32, #tpu.memory_space<vmem>>
      %dma_wait3A_38 = tpu.memref_squeeze %dma_wait3A_37 : memref<1x1024xf32, #tpu.memory_space<vmem>> -> memref<1024xf32, #tpu.memory_space<vmem>>
      %dma_wait3A_39 = tpu.memref_slice %arg2[%run_scoped3A_6, %mul3A_2] : memref<4x32768xf32, #tpu.memory_space<hbm>> -> memref<1x1024xf32, #tpu.memory_space<hbm>>
      %dma_wait3A_40 = tpu.memref_squeeze %dma_wait3A_39 : memref<1x1024xf32, #tpu.memory_space<hbm>> -> memref<1024xf32, #tpu.memory_space<hbm>>
      tpu.wait_dma2 semaphore(%run_scoped3A_22 : memref<!tpu.dma_semaphore, #tpu.memory_space<semaphore_mem>>) src(%dma_wait3A_40 : memref<1024xf32, #tpu.memory_space<hbm>>) dst(%dma_wait3A_38 : memref<1024xf32, #tpu.memory_space<vmem>>)
      tpu.yield
    }) : () -> ()
    %run_scoped3A_8 = arith.constant 3 : i32
    %run_scoped3A_9 = arith.constant 3 : i32
    "tpu.region"() ({
      %run_scoped3A_22 = tpu.sem_alloc : memref<!tpu.dma_semaphore, #tpu.memory_space<semaphore_mem>>
      %dma_start3A = arith.constant 0 : i32
      %dma_start3A_23 = tpu.memref_slice %arg4[%run_scoped3A_9, %dma_start3A] : memref<4x1024xf32, #tpu.memory_space<vmem>> -> memref<1x1024xf32, #tpu.memory_space<vmem>>
      %dma_start3A_24 = tpu.memref_squeeze %dma_start3A_23 : memref<1x1024xf32, #tpu.memory_space<vmem>> -> memref<1024xf32, #tpu.memory_space<vmem>>
      %dma_start3A_25 = tpu.memref_slice %arg2[%run_scoped3A_8, %mul3A_2] : memref<4x32768xf32, #tpu.memory_space<hbm>> -> memref<1x1024xf32, #tpu.memory_space<hbm>>
      %dma_start3A_26 = tpu.memref_squeeze %dma_start3A_25 : memref<1x1024xf32, #tpu.memory_space<hbm>> -> memref<1024xf32, #tpu.memory_space<hbm>>
      %dma_start3A_27 = arith.constant 0 : i32
      %dma_start3A_28 = tpu.memref_slice %arg4[%run_scoped3A_9, %dma_start3A_27] : memref<4x1024xf32, #tpu.memory_space<vmem>> -> memref<1x1024xf32, #tpu.memory_space<vmem>>
      %dma_start3A_29 = tpu.memref_squeeze %dma_start3A_28 : memref<1x1024xf32, #tpu.memory_space<vmem>> -> memref<1024xf32, #tpu.memory_space<vmem>>
      %dma_start3A_30 = tpu.memref_slice %arg2[%run_scoped3A_8, %mul3A_2] : memref<4x32768xf32, #tpu.memory_space<hbm>> -> memref<1x1024xf32, #tpu.memory_space<hbm>>
      %dma_start3A_31 = tpu.memref_squeeze %dma_start3A_30 : memref<1x1024xf32, #tpu.memory_space<hbm>> -> memref<1024xf32, #tpu.memory_space<hbm>>
      tpu.enqueue_dma source(%dma_start3A_31 : memref<1024xf32, #tpu.memory_space<hbm>>) target(%dma_start3A_29 : memref<1024xf32, #tpu.memory_space<vmem>>) target_semaphore(%run_scoped3A_22 : memref<!tpu.dma_semaphore, #tpu.memory_space<semaphore_mem>>)
      %dma_wait3A = arith.constant 0 : i32
      %dma_wait3A_32 = tpu.memref_slice %arg4[%run_scoped3A_9, %dma_wait3A] : memref<4x1024xf32, #tpu.memory_space<vmem>> -> memref<1x1024xf32, #tpu.memory_space<vmem>>
      %dma_wait3A_33 = tpu.memref_squeeze %dma_wait3A_32 : memref<1x1024xf32, #tpu.memory_space<vmem>> -> memref<1024xf32, #tpu.memory_space<vmem>>
      %dma_wait3A_34 = tpu.memref_slice %arg2[%run_scoped3A_8, %mul3A_2] : memref<4x32768xf32, #tpu.memory_space<hbm>> -> memref<1x1024xf32, #tpu.memory_space<hbm>>
      %dma_wait3A_35 = tpu.memref_squeeze %dma_wait3A_34 : memref<1x1024xf32, #tpu.memory_space<hbm>> -> memref<1024xf32, #tpu.memory_space<hbm>>
      %dma_wait3A_36 = arith.constant 0 : i32
      %dma_wait3A_37 = tpu.memref_slice %arg4[%run_scoped3A_9, %dma_wait3A_36] : memref<4x1024xf32, #tpu.memory_space<vmem>> -> memref<1x1024xf32, #tpu.memory_space<vmem>>
      %dma_wait3A_38 = tpu.memref_squeeze %dma_wait3A_37 : memref<1x1024xf32, #tpu.memory_space<vmem>> -> memref<1024xf32, #tpu.memory_space<vmem>>
      %dma_wait3A_39 = tpu.memref_slice %arg2[%run_scoped3A_8, %mul3A_2] : memref<4x32768xf32, #tpu.memory_space<hbm>> -> memref<1x1024xf32, #tpu.memory_space<hbm>>
      %dma_wait3A_40 = tpu.memref_squeeze %dma_wait3A_39 : memref<1x1024xf32, #tpu.memory_space<hbm>> -> memref<1024xf32, #tpu.memory_space<hbm>>
      tpu.wait_dma2 semaphore(%run_scoped3A_22 : memref<!tpu.dma_semaphore, #tpu.memory_space<semaphore_mem>>) src(%dma_wait3A_40 : memref<1024xf32, #tpu.memory_space<hbm>>) dst(%dma_wait3A_38 : memref<1024xf32, #tpu.memory_space<vmem>>)
      tpu.yield
    }) : () -> ()
    %scan3A = arith.constant 0 : i32
    %scan3A_10 = arith.constant 64 : i32
    %scan3A_11 = arith.addi %scan3A, %scan3A_10 : i32
    %scan3A_12 = arith.constant 1 : i32
    scf.for %scan3A_22 = %scan3A to %scan3A_11 step %scan3A_12  : i32 {
      %mul3A_23 = arith.constant 16 : i32
      %mul3A_24 = arith.muli %scan3A_22, %mul3A_23 : i32
      %get3A = arith.constant 0 : i32
      %get3A_25 = arith.index_cast %get3A : i32 to index
      %get3A_26 = arith.index_cast %mul3A_24 : i32 to index
      %get3A_27 = tpu.vector_load %arg4[%get3A_25, %get3A_26] {strides = array<i32>} : memref<4x1024xf32, #tpu.memory_space<vmem>>, vector<1x16xf32>,
      %get3A_28 = vector.shape_cast %get3A_27 : vector<1x16xf32> to vector<16xf32>
      %get3A_29 = arith.constant 1 : i32
      %get3A_30 = arith.index_cast %get3A_29 : i32 to index
      %get3A_31 = arith.index_cast %mul3A_24 : i32 to index
      %get3A_32 = tpu.vector_load %arg4[%get3A_30, %get3A_31] {strides = array<i32>} : memref<4x1024xf32, #tpu.memory_space<vmem>>, vector<1x16xf32>,
      %get3A_33 = vector.shape_cast %get3A_32 : vector<1x16xf32> to vector<16xf32>
      %get3A_34 = arith.constant 2 : i32
      %get3A_35 = arith.index_cast %get3A_34 : i32 to index
      %get3A_36 = arith.index_cast %mul3A_24 : i32 to index
      %get3A_37 = tpu.vector_load %arg4[%get3A_35, %get3A_36] {strides = array<i32>} : memref<4x1024xf32, #tpu.memory_space<vmem>>, vector<1x16xf32>,
      %get3A_38 = vector.shape_cast %get3A_37 : vector<1x16xf32> to vector<16xf32>
      %get3A_39 = arith.constant 3 : i32
      %get3A_40 = arith.index_cast %get3A_39 : i32 to index
      %get3A_41 = arith.index_cast %mul3A_24 : i32 to index
      %get3A_42 = tpu.vector_load %arg4[%get3A_40, %get3A_41] {strides = array<i32>} : memref<4x1024xf32, #tpu.memory_space<vmem>>, vector<1x16xf32>,
      %get3A_43 = vector.shape_cast %get3A_42 : vector<1x16xf32> to vector<16xf32>
      %max3A = arith.maximumf %get3A_28, %get3A_33 : vector<16xf32>
      %max3A_44 = arith.maximumf %get3A_38, %get3A_43 : vector<16xf32>
      %max3A_45 = arith.maximumf %max3A, %max3A_44 : vector<16xf32>
      %broadcast_in_dim3A = arith.constant 0 : i32
      %broadcast_in_dim3A_46 = vector.broadcast %broadcast_in_dim3A : i32 to vector<16xi32>
      %broadcast_in_dim3A_47 = arith.constant 1 : i32
      %broadcast_in_dim3A_48 = vector.broadcast %broadcast_in_dim3A_47 : i32 to vector<16xi32>
      %broadcast_in_dim3A_49 = arith.constant 2 : i32
      %broadcast_in_dim3A_50 = vector.broadcast %broadcast_in_dim3A_49 : i32 to vector<16xi32>
      %broadcast_in_dim3A_51 = arith.constant 3 : i32
      %broadcast_in_dim3A_52 = vector.broadcast %broadcast_in_dim3A_51 : i32 to vector<16xi32>
      %eq3A = arith.cmpf oeq, %get3A_28, %max3A_45 : vector<16xf32>
      %eq3A_53 = arith.cmpf oeq, %get3A_33, %max3A_45 : vector<16xf32>
      %eq3A_54 = arith.cmpf oeq, %get3A_38, %max3A_45 : vector<16xf32>
      %select_n3A = arith.select %eq3A_54, %broadcast_in_dim3A_50, %broadcast_in_dim3A_52 : vector<16xi1>, vector<16xi32>
      %select_n3A_55 = arith.select %eq3A_53, %broadcast_in_dim3A_48, %select_n3A : vector<16xi1>, vector<16xi32>
      %select_n3A_56 = arith.select %eq3A, %broadcast_in_dim3A_46, %select_n3A_55 : vector<16xi1>, vector<16xi32>
      %broadcast_in_dim3A_57 = arith.constant 0xFF800000 : f32
      %broadcast_in_dim3A_58 = vector.broadcast %broadcast_in_dim3A_57 : f32 to vector<16xf32>
      %eq3A_59 = arith.constant 0 : i32
      %eq3A_60 = vector.broadcast %eq3A_59 : i32 to vector<16xi32>
      %eq3A_61 = arith.cmpi eq, %select_n3A_56, %eq3A_60 : vector<16xi32>
      %select_n3A_62 = arith.select %eq3A_61, %broadcast_in_dim3A_58, %get3A_28 : vector<16xi1>, vector<16xf32>
      %eq3A_63 = arith.constant 1 : i32
      %eq3A_64 = vector.broadcast %eq3A_63 : i32 to vector<16xi32>
      %eq3A_65 = arith.cmpi eq, %select_n3A_56, %eq3A_64 : vector<16xi32>
      %select_n3A_66 = arith.select %eq3A_65, %broadcast_in_dim3A_58, %get3A_33 : vector<16xi1>, vector<16xf32>
      %eq3A_67 = arith.constant 2 : i32
      %eq3A_68 = vector.broadcast %eq3A_67 : i32 to vector<16xi32>
      %eq3A_69 = arith.cmpi eq, %select_n3A_56, %eq3A_68 : vector<16xi32>
      %select_n3A_70 = arith.select %eq3A_69, %broadcast_in_dim3A_58, %get3A_38 : vector<16xi1>, vector<16xf32>
      %eq3A_71 = arith.constant 3 : i32
      %eq3A_72 = vector.broadcast %eq3A_71 : i32 to vector<16xi32>
      %eq3A_73 = arith.cmpi eq, %select_n3A_56, %eq3A_72 : vector<16xi32>
      %select_n3A_74 = arith.select %eq3A_73, %broadcast_in_dim3A_58, %get3A_43 : vector<16xi1>, vector<16xf32>
      %max3A_75 = arith.maximumf %select_n3A_62, %select_n3A_66 : vector<16xf32>
      %max3A_76 = arith.maximumf %select_n3A_70, %select_n3A_74 : vector<16xf32>
      %max3A_77 = arith.maximumf %max3A_75, %max3A_76 : vector<16xf32>
      %eq3A_78 = arith.cmpf oeq, %select_n3A_62, %max3A_77 : vector<16xf32>
      %eq3A_79 = arith.cmpf oeq, %select_n3A_66, %max3A_77 : vector<16xf32>
      %eq3A_80 = arith.cmpf oeq, %select_n3A_70, %max3A_77 : vector<16xf32>
      %select_n3A_81 = arith.select %eq3A_80, %broadcast_in_dim3A_50, %broadcast_in_dim3A_52 : vector<16xi1>, vector<16xi32>
      %select_n3A_82 = arith.select %eq3A_79, %broadcast_in_dim3A_48, %select_n3A_81 : vector<16xi1>, vector<16xi32>
      %select_n3A_83 = arith.select %eq3A_78, %broadcast_in_dim3A_46, %select_n3A_82 : vector<16xi1>, vector<16xi32>
      %sub3A = arith.subf %max3A_77, %max3A_45 : vector<16xf32>
      %exp3A = math.exp %sub3A : vector<16xf32>
      %add3A_84 = arith.constant 1.000000e+00 : f32
      %add3A_85 = vector.broadcast %add3A_84 : f32 to vector<16xf32>
      %add3A_86 = arith.addf %add3A_85, %exp3A : vector<16xf32>
      %div3A = arith.constant 1.000000e+00 : f32
      %div3A_87 = vector.broadcast %div3A : f32 to vector<16xf32>
      %div3A_88 = arith.divf %div3A_87, %add3A_86 : vector<16xf32>
      %sub3A_89 = arith.constant 1.000000e+00 : f32
      %sub3A_90 = vector.broadcast %sub3A_89 : f32 to vector<16xf32>
      %sub3A_91 = arith.subf %sub3A_90, %div3A_88 : vector<16xf32>
      %broadcast_in_dim3A_92 = arith.constant 0.000000e+00 : f32
      %broadcast_in_dim3A_93 = vector.broadcast %broadcast_in_dim3A_92 : f32 to vector<16xf32>
      %eq3A_94 = arith.constant 0 : i32
      %eq3A_95 = vector.broadcast %eq3A_94 : i32 to vector<16xi32>
      %eq3A_96 = arith.cmpi eq, %select_n3A_56, %eq3A_95 : vector<16xi32>
      %eq3A_97 = arith.constant 0 : i32
      %eq3A_98 = vector.broadcast %eq3A_97 : i32 to vector<16xi32>
      %eq3A_99 = arith.cmpi eq, %select_n3A_83, %eq3A_98 : vector<16xi32>
      %select_n3A_100 = arith.select %eq3A_99, %sub3A_91, %broadcast_in_dim3A_93 : vector<16xi1>, vector<16xf32>
      %select_n3A_101 = arith.select %eq3A_96, %div3A_88, %select_n3A_100 : vector<16xi1>, vector<16xf32>
      %swap3A = arith.constant 0 : i32
      %swap3A_102 = arith.index_cast %swap3A : i32 to index
      %swap3A_103 = arith.index_cast %mul3A_24 : i32 to index
      %swap3A_104 = tpu.vector_load %arg5[%swap3A_102, %swap3A_103] {strides = array<i32>} : memref<4x1024xf32, #tpu.memory_space<vmem>>, vector<1x16xf32>,
      %swap3A_105 = vector.shape_cast %swap3A_104 : vector<1x16xf32> to vector<16xf32>
      %swap3A_106 = vector.shape_cast %select_n3A_101 : vector<16xf32> to vector<1x16xf32>
      tpu.vector_store %arg5[%swap3A_102, %swap3A_103], %swap3A_106 {strides = array<i32>} : memref<4x1024xf32, #tpu.memory_space<vmem>>, vector<1x16xf32>,
      %eq3A_107 = arith.constant 1 : i32
      %eq3A_108 = vector.broadcast %eq3A_107 : i32 to vector<16xi32>
      %eq3A_109 = arith.cmpi eq, %select_n3A_56, %eq3A_108 : vector<16xi32>
      %eq3A_110 = arith.constant 1 : i32
      %eq3A_111 = vector.broadcast %eq3A_110 : i32 to vector<16xi32>
      %eq3A_112 = arith.cmpi eq, %select_n3A_83, %eq3A_111 : vector<16xi32>
      %select_n3A_113 = arith.select %eq3A_112, %sub3A_91, %broadcast_in_dim3A_93 : vector<16xi1>, vector<16xf32>
      %select_n3A_114 = arith.select %eq3A_109, %div3A_88, %select_n3A_113 : vector<16xi1>, vector<16xf32>
      %swap3A_115 = arith.constant 1 : i32
      %swap3A_116 = arith.index_cast %swap3A_115 : i32 to index
      %swap3A_117 = arith.index_cast %mul3A_24 : i32 to index
      %swap3A_118 = tpu.vector_load %arg5[%swap3A_116, %swap3A_117] {strides = array<i32>} : memref<4x1024xf32, #tpu.memory_space<vmem>>, vector<1x16xf32>,
      %swap3A_119 = vector.shape_cast %swap3A_118 : vector<1x16xf32> to vector<16xf32>
      %swap3A_120 = vector.shape_cast %select_n3A_114 : vector<16xf32> to vector<1x16xf32>
      tpu.vector_store %arg5[%swap3A_116, %swap3A_117], %swap3A_120 {strides = array<i32>} : memref<4x1024xf32, #tpu.memory_space<vmem>>, vector<1x16xf32>,
      %eq3A_121 = arith.constant 2 : i32
      %eq3A_122 = vector.broadcast %eq3A_121 : i32 to vector<16xi32>
      %eq3A_123 = arith.cmpi eq, %select_n3A_56, %eq3A_122 : vector<16xi32>
      %eq3A_124 = arith.constant 2 : i32
      %eq3A_125 = vector.broadcast %eq3A_124 : i32 to vector<16xi32>
      %eq3A_126 = arith.cmpi eq, %select_n3A_83, %eq3A_125 : vector<16xi32>
      %select_n3A_127 = arith.select %eq3A_126, %sub3A_91, %broadcast_in_dim3A_93 : vector<16xi1>, vector<16xf32>
      %select_n3A_128 = arith.select %eq3A_123, %div3A_88, %select_n3A_127 : vector<16xi1>, vector<16xf32>
      %swap3A_129 = arith.constant 2 : i32
      %swap3A_130 = arith.index_cast %swap3A_129 : i32 to index
      %swap3A_131 = arith.index_cast %mul3A_24 : i32 to index
      %swap3A_132 = tpu.vector_load %arg5[%swap3A_130, %swap3A_131] {strides = array<i32>} : memref<4x1024xf32, #tpu.memory_space<vmem>>, vector<1x16xf32>,
      %swap3A_133 = vector.shape_cast %swap3A_132 : vector<1x16xf32> to vector<16xf32>
      %swap3A_134 = vector.shape_cast %select_n3A_128 : vector<16xf32> to vector<1x16xf32>
      tpu.vector_store %arg5[%swap3A_130, %swap3A_131], %swap3A_134 {strides = array<i32>} : memref<4x1024xf32, #tpu.memory_space<vmem>>, vector<1x16xf32>,
      %eq3A_135 = arith.constant 3 : i32
      %eq3A_136 = vector.broadcast %eq3A_135 : i32 to vector<16xi32>
      %eq3A_137 = arith.cmpi eq, %select_n3A_56, %eq3A_136 : vector<16xi32>
      %eq3A_138 = arith.constant 3 : i32
      %eq3A_139 = vector.broadcast %eq3A_138 : i32 to vector<16xi32>
      %eq3A_140 = arith.cmpi eq, %select_n3A_83, %eq3A_139 : vector<16xi32>
      %select_n3A_141 = arith.select %eq3A_140, %sub3A_91, %broadcast_in_dim3A_93 : vector<16xi1>, vector<16xf32>
      %select_n3A_142 = arith.select %eq3A_137, %div3A_88, %select_n3A_141 : vector<16xi1>, vector<16xf32>
      %swap3A_143 = arith.constant 3 : i32
      %swap3A_144 = arith.index_cast %swap3A_143 : i32 to index
      %swap3A_145 = arith.index_cast %mul3A_24 : i32 to index
      %swap3A_146 = tpu.vector_load %arg5[%swap3A_144, %swap3A_145] {strides = array<i32>} : memref<4x1024xf32, #tpu.memory_space<vmem>>, vector<1x16xf32>,
      %swap3A_147 = vector.shape_cast %swap3A_146 : vector<1x16xf32> to vector<16xf32>
      %swap3A_148 = vector.shape_cast %select_n3A_142 : vector<16xf32> to vector<1x16xf32>
      tpu.vector_store %arg5[%swap3A_144, %swap3A_145], %swap3A_148 {strides = array<i32>} : memref<4x1024xf32, #tpu.memory_space<vmem>>, vector<1x16xf32>,
    }
    %scan3A_13 = arith.constant 64 : i32
    %run_scoped3A_14 = arith.constant 0 : i32
    %run_scoped3A_15 = arith.constant 0 : i32
    "tpu.region"() ({
      %run_scoped3A_22 = tpu.sem_alloc : memref<!tpu.dma_semaphore, #tpu.memory_space<semaphore_mem>>
      %dma_start3A = arith.constant 0 : i32
      %dma_start3A_23 = tpu.memref_slice %arg5[%run_scoped3A_14, %dma_start3A] : memref<4x1024xf32, #tpu.memory_space<vmem>> -> memref<1x1024xf32, #tpu.memory_space<vmem>>
      %dma_start3A_24 = tpu.memref_squeeze %dma_start3A_23 : memref<1x1024xf32, #tpu.memory_space<vmem>> -> memref<1024xf32, #tpu.memory_space<vmem>>
      %dma_start3A_25 = tpu.memref_slice %arg3[%run_scoped3A_15, %mul3A_2] : memref<4x32768xf32, #tpu.memory_space<hbm>> -> memref<1x1024xf32, #tpu.memory_space<hbm>>
      %dma_start3A_26 = tpu.memref_squeeze %dma_start3A_25 : memref<1x1024xf32, #tpu.memory_space<hbm>> -> memref<1024xf32, #tpu.memory_space<hbm>>
      %dma_start3A_27 = tpu.memref_slice %arg3[%run_scoped3A_15, %mul3A_2] : memref<4x32768xf32, #tpu.memory_space<hbm>> -> memref<1x1024xf32, #tpu.memory_space<hbm>>
      %dma_start3A_28 = tpu.memref_squeeze %dma_start3A_27 : memref<1x1024xf32, #tpu.memory_space<hbm>> -> memref<1024xf32, #tpu.memory_space<hbm>>
      %dma_start3A_29 = arith.constant 0 : i32
      %dma_start3A_30 = tpu.memref_slice %arg5[%run_scoped3A_14, %dma_start3A_29] : memref<4x1024xf32, #tpu.memory_space<vmem>> -> memref<1x1024xf32, #tpu.memory_space<vmem>>
      %dma_start3A_31 = tpu.memref_squeeze %dma_start3A_30 : memref<1x1024xf32, #tpu.memory_space<vmem>> -> memref<1024xf32, #tpu.memory_space<vmem>>
      tpu.enqueue_dma source(%dma_start3A_31 : memref<1024xf32, #tpu.memory_space<vmem>>) target(%dma_start3A_28 : memref<1024xf32, #tpu.memory_space<hbm>>) target_semaphore(%run_scoped3A_22 : memref<!tpu.dma_semaphore, #tpu.memory_space<semaphore_mem>>)
      %dma_wait3A = arith.constant 0 : i32
      %dma_wait3A_32 = tpu.memref_slice %arg5[%run_scoped3A_14, %dma_wait3A] : memref<4x1024xf32, #tpu.memory_space<vmem>> -> memref<1x1024xf32, #tpu.memory_space<vmem>>
      %dma_wait3A_33 = tpu.memref_squeeze %dma_wait3A_32 : memref<1x1024xf32, #tpu.memory_space<vmem>> -> memref<1024xf32, #tpu.memory_space<vmem>>
      %dma_wait3A_34 = tpu.memref_slice %arg3[%run_scoped3A_15, %mul3A_2] : memref<4x32768xf32, #tpu.memory_space<hbm>> -> memref<1x1024xf32, #tpu.memory_space<hbm>>
      %dma_wait3A_35 = tpu.memref_squeeze %dma_wait3A_34 : memref<1x1024xf32, #tpu.memory_space<hbm>> -> memref<1024xf32, #tpu.memory_space<hbm>>
      %dma_wait3A_36 = tpu.memref_slice %arg3[%run_scoped3A_15, %mul3A_2] : memref<4x32768xf32, #tpu.memory_space<hbm>> -> memref<1x1024xf32, #tpu.memory_space<hbm>>
      %dma_wait3A_37 = tpu.memref_squeeze %dma_wait3A_36 : memref<1x1024xf32, #tpu.memory_space<hbm>> -> memref<1024xf32, #tpu.memory_space<hbm>>
      %dma_wait3A_38 = arith.constant 0 : i32
      %dma_wait3A_39 = tpu.memref_slice %arg5[%run_scoped3A_14, %dma_wait3A_38] : memref<4x1024xf32, #tpu.memory_space<vmem>> -> memref<1x1024xf32, #tpu.memory_space<vmem>>
      %dma_wait3A_40 = tpu.memref_squeeze %dma_wait3A_39 : memref<1x1024xf32, #tpu.memory_space<vmem>> -> memref<1024xf32, #tpu.memory_space<vmem>>
      tpu.wait_dma2 semaphore(%run_scoped3A_22 : memref<!tpu.dma_semaphore, #tpu.memory_space<semaphore_mem>>) src(%dma_wait3A_40 : memref<1024xf32, #tpu.memory_space<vmem>>) dst(%dma_wait3A_37 : memref<1024xf32, #tpu.memory_space<hbm>>)
      tpu.yield
    }) : () -> ()
    %run_scoped3A_16 = arith.constant 1 : i32
    %run_scoped3A_17 = arith.constant 1 : i32
    "tpu.region"() ({
      %run_scoped3A_22 = tpu.sem_alloc : memref<!tpu.dma_semaphore, #tpu.memory_space<semaphore_mem>>
      %dma_start3A = arith.constant 0 : i32
      %dma_start3A_23 = tpu.memref_slice %arg5[%run_scoped3A_16, %dma_start3A] : memref<4x1024xf32, #tpu.memory_space<vmem>> -> memref<1x1024xf32, #tpu.memory_space<vmem>>
      %dma_start3A_24 = tpu.memref_squeeze %dma_start3A_23 : memref<1x1024xf32, #tpu.memory_space<vmem>> -> memref<1024xf32, #tpu.memory_space<vmem>>
      %dma_start3A_25 = tpu.memref_slice %arg3[%run_scoped3A_17, %mul3A_2] : memref<4x32768xf32, #tpu.memory_space<hbm>> -> memref<1x1024xf32, #tpu.memory_space<hbm>>
      %dma_start3A_26 = tpu.memref_squeeze %dma_start3A_25 : memref<1x1024xf32, #tpu.memory_space<hbm>> -> memref<1024xf32, #tpu.memory_space<hbm>>
      %dma_start3A_27 = tpu.memref_slice %arg3[%run_scoped3A_17, %mul3A_2] : memref<4x32768xf32, #tpu.memory_space<hbm>> -> memref<1x1024xf32, #tpu.memory_space<hbm>>
      %dma_start3A_28 = tpu.memref_squeeze %dma_start3A_27 : memref<1x1024xf32, #tpu.memory_space<hbm>> -> memref<1024xf32, #tpu.memory_space<hbm>>
      %dma_start3A_29 = arith.constant 0 : i32
      %dma_start3A_30 = tpu.memref_slice %arg5[%run_scoped3A_16, %dma_start3A_29] : memref<4x1024xf32, #tpu.memory_space<vmem>> -> memref<1x1024xf32, #tpu.memory_space<vmem>>
      %dma_start3A_31 = tpu.memref_squeeze %dma_start3A_30 : memref<1x1024xf32, #tpu.memory_space<vmem>> -> memref<1024xf32, #tpu.memory_space<vmem>>
      tpu.enqueue_dma source(%dma_start3A_31 : memref<1024xf32, #tpu.memory_space<vmem>>) target(%dma_start3A_28 : memref<1024xf32, #tpu.memory_space<hbm>>) target_semaphore(%run_scoped3A_22 : memref<!tpu.dma_semaphore, #tpu.memory_space<semaphore_mem>>)
      %dma_wait3A = arith.constant 0 : i32
      %dma_wait3A_32 = tpu.memref_slice %arg5[%run_scoped3A_16, %dma_wait3A] : memref<4x1024xf32, #tpu.memory_space<vmem>> -> memref<1x1024xf32, #tpu.memory_space<vmem>>
      %dma_wait3A_33 = tpu.memref_squeeze %dma_wait3A_32 : memref<1x1024xf32, #tpu.memory_space<vmem>> -> memref<1024xf32, #tpu.memory_space<vmem>>
      %dma_wait3A_34 = tpu.memref_slice %arg3[%run_scoped3A_17, %mul3A_2] : memref<4x32768xf32, #tpu.memory_space<hbm>> -> memref<1x1024xf32, #tpu.memory_space<hbm>>
      %dma_wait3A_35 = tpu.memref_squeeze %dma_wait3A_34 : memref<1x1024xf32, #tpu.memory_space<hbm>> -> memref<1024xf32, #tpu.memory_space<hbm>>
      %dma_wait3A_36 = tpu.memref_slice %arg3[%run_scoped3A_17, %mul3A_2] : memref<4x32768xf32, #tpu.memory_space<hbm>> -> memref<1x1024xf32, #tpu.memory_space<hbm>>
      %dma_wait3A_37 = tpu.memref_squeeze %dma_wait3A_36 : memref<1x1024xf32, #tpu.memory_space<hbm>> -> memref<1024xf32, #tpu.memory_space<hbm>>
      %dma_wait3A_38 = arith.constant 0 : i32
      %dma_wait3A_39 = tpu.memref_slice %arg5[%run_scoped3A_16, %dma_wait3A_38] : memref<4x1024xf32, #tpu.memory_space<vmem>> -> memref<1x1024xf32, #tpu.memory_space<vmem>>
      %dma_wait3A_40 = tpu.memref_squeeze %dma_wait3A_39 : memref<1x1024xf32, #tpu.memory_space<vmem>> -> memref<1024xf32, #tpu.memory_space<vmem>>
      tpu.wait_dma2 semaphore(%run_scoped3A_22 : memref<!tpu.dma_semaphore, #tpu.memory_space<semaphore_mem>>) src(%dma_wait3A_40 : memref<1024xf32, #tpu.memory_space<vmem>>) dst(%dma_wait3A_37 : memref<1024xf32, #tpu.memory_space<hbm>>)
      tpu.yield
    }) : () -> ()
    %run_scoped3A_18 = arith.constant 2 : i32
    %run_scoped3A_19 = arith.constant 2 : i32
    "tpu.region"() ({
      %run_scoped3A_22 = tpu.sem_alloc : memref<!tpu.dma_semaphore, #tpu.memory_space<semaphore_mem>>
      %dma_start3A = arith.constant 0 : i32
      %dma_start3A_23 = tpu.memref_slice %arg5[%run_scoped3A_18, %dma_start3A] : memref<4x1024xf32, #tpu.memory_space<vmem>> -> memref<1x1024xf32, #tpu.memory_space<vmem>>
      %dma_start3A_24 = tpu.memref_squeeze %dma_start3A_23 : memref<1x1024xf32, #tpu.memory_space<vmem>> -> memref<1024xf32, #tpu.memory_space<vmem>>
      %dma_start3A_25 = tpu.memref_slice %arg3[%run_scoped3A_19, %mul3A_2] : memref<4x32768xf32, #tpu.memory_space<hbm>> -> memref<1x1024xf32, #tpu.memory_space<hbm>>
      %dma_start3A_26 = tpu.memref_squeeze %dma_start3A_25 : memref<1x1024xf32, #tpu.memory_space<hbm>> -> memref<1024xf32, #tpu.memory_space<hbm>>
      %dma_start3A_27 = tpu.memref_slice %arg3[%run_scoped3A_19, %mul3A_2] : memref<4x32768xf32, #tpu.memory_space<hbm>> -> memref<1x1024xf32, #tpu.memory_space<hbm>>
      %dma_start3A_28 = tpu.memref_squeeze %dma_start3A_27 : memref<1x1024xf32, #tpu.memory_space<hbm>> -> memref<1024xf32, #tpu.memory_space<hbm>>
      %dma_start3A_29 = arith.constant 0 : i32
      %dma_start3A_30 = tpu.memref_slice %arg5[%run_scoped3A_18, %dma_start3A_29] : memref<4x1024xf32, #tpu.memory_space<vmem>> -> memref<1x1024xf32, #tpu.memory_space<vmem>>
      %dma_start3A_31 = tpu.memref_squeeze %dma_start3A_30 : memref<1x1024xf32, #tpu.memory_space<vmem>> -> memref<1024xf32, #tpu.memory_space<vmem>>
      tpu.enqueue_dma source(%dma_start3A_31 : memref<1024xf32, #tpu.memory_space<vmem>>) target(%dma_start3A_28 : memref<1024xf32, #tpu.memory_space<hbm>>) target_semaphore(%run_scoped3A_22 : memref<!tpu.dma_semaphore, #tpu.memory_space<semaphore_mem>>)
      %dma_wait3A = arith.constant 0 : i32
      %dma_wait3A_32 = tpu.memref_slice %arg5[%run_scoped3A_18, %dma_wait3A] : memref<4x1024xf32, #tpu.memory_space<vmem>> -> memref<1x1024xf32, #tpu.memory_space<vmem>>
      %dma_wait3A_33 = tpu.memref_squeeze %dma_wait3A_32 : memref<1x1024xf32, #tpu.memory_space<vmem>> -> memref<1024xf32, #tpu.memory_space<vmem>>
      %dma_wait3A_34 = tpu.memref_slice %arg3[%run_scoped3A_19, %mul3A_2] : memref<4x32768xf32, #tpu.memory_space<hbm>> -> memref<1x1024xf32, #tpu.memory_space<hbm>>
      %dma_wait3A_35 = tpu.memref_squeeze %dma_wait3A_34 : memref<1x1024xf32, #tpu.memory_space<hbm>> -> memref<1024xf32, #tpu.memory_space<hbm>>
      %dma_wait3A_36 = tpu.memref_slice %arg3[%run_scoped3A_19, %mul3A_2] : memref<4x32768xf32, #tpu.memory_space<hbm>> -> memref<1x1024xf32, #tpu.memory_space<hbm>>
      %dma_wait3A_37 = tpu.memref_squeeze %dma_wait3A_36 : memref<1x1024xf32, #tpu.memory_space<hbm>> -> memref<1024xf32, #tpu.memory_space<hbm>>
      %dma_wait3A_38 = arith.constant 0 : i32
      %dma_wait3A_39 = tpu.memref_slice %arg5[%run_scoped3A_18, %dma_wait3A_38] : memref<4x1024xf32, #tpu.memory_space<vmem>> -> memref<1x1024xf32, #tpu.memory_space<vmem>>
      %dma_wait3A_40 = tpu.memref_squeeze %dma_wait3A_39 : memref<1x1024xf32, #tpu.memory_space<vmem>> -> memref<1024xf32, #tpu.memory_space<vmem>>
      tpu.wait_dma2 semaphore(%run_scoped3A_22 : memref<!tpu.dma_semaphore, #tpu.memory_space<semaphore_mem>>) src(%dma_wait3A_40 : memref<1024xf32, #tpu.memory_space<vmem>>) dst(%dma_wait3A_37 : memref<1024xf32, #tpu.memory_space<hbm>>)
      tpu.yield
    }) : () -> ()
    %run_scoped3A_20 = arith.constant 3 : i32
    %run_scoped3A_21 = arith.constant 3 : i32
    "tpu.region"() ({
      %run_scoped3A_22 = tpu.sem_alloc : memref<!tpu.dma_semaphore, #tpu.memory_space<semaphore_mem>>
      %dma_start3A = arith.constant 0 : i32
      %dma_start3A_23 = tpu.memref_slice %arg5[%run_scoped3A_20, %dma_start3A] : memref<4x1024xf32, #tpu.memory_space<vmem>> -> memref<1x1024xf32, #tpu.memory_space<vmem>>
      %dma_start3A_24 = tpu.memref_squeeze %dma_start3A_23 : memref<1x1024xf32, #tpu.memory_space<vmem>> -> memref<1024xf32, #tpu.memory_space<vmem>>
      %dma_start3A_25 = tpu.memref_slice %arg3[%run_scoped3A_21, %mul3A_2] : memref<4x32768xf32, #tpu.memory_space<hbm>> -> memref<1x1024xf32, #tpu.memory_space<hbm>>
      %dma_start3A_26 = tpu.memref_squeeze %dma_start3A_25 : memref<1x1024xf32, #tpu.memory_space<hbm>> -> memref<1024xf32, #tpu.memory_space<hbm>>
      %dma_start3A_27 = tpu.memref_slice %arg3[%run_scoped3A_21, %mul3A_2] : memref<4x32768xf32, #tpu.memory_space<hbm>> -> memref<1x1024xf32, #tpu.memory_space<hbm>>
      %dma_start3A_28 = tpu.memref_squeeze %dma_start3A_27 : memref<1x1024xf32, #tpu.memory_space<hbm>> -> memref<1024xf32, #tpu.memory_space<hbm>>
      %dma_start3A_29 = arith.constant 0 : i32
      %dma_start3A_30 = tpu.memref_slice %arg5[%run_scoped3A_20, %dma_start3A_29] : memref<4x1024xf32, #tpu.memory_space<vmem>> -> memref<1x1024xf32, #tpu.memory_space<vmem>>
      %dma_start3A_31 = tpu.memref_squeeze %dma_start3A_30 : memref<1x1024xf32, #tpu.memory_space<vmem>> -> memref<1024xf32, #tpu.memory_space<vmem>>
      tpu.enqueue_dma source(%dma_start3A_31 : memref<1024xf32, #tpu.memory_space<vmem>>) target(%dma_start3A_28 : memref<1024xf32, #tpu.memory_space<hbm>>) target_semaphore(%run_scoped3A_22 : memref<!tpu.dma_semaphore, #tpu.memory_space<semaphore_mem>>)
      %dma_wait3A = arith.constant 0 : i32
      %dma_wait3A_32 = tpu.memref_slice %arg5[%run_scoped3A_20, %dma_wait3A] : memref<4x1024xf32, #tpu.memory_space<vmem>> -> memref<1x1024xf32, #tpu.memory_space<vmem>>
      %dma_wait3A_33 = tpu.memref_squeeze %dma_wait3A_32 : memref<1x1024xf32, #tpu.memory_space<vmem>> -> memref<1024xf32, #tpu.memory_space<vmem>>
      %dma_wait3A_34 = tpu.memref_slice %arg3[%run_scoped3A_21, %mul3A_2] : memref<4x32768xf32, #tpu.memory_space<hbm>> -> memref<1x1024xf32, #tpu.memory_space<hbm>>
      %dma_wait3A_35 = tpu.memref_squeeze %dma_wait3A_34 : memref<1x1024xf32, #tpu.memory_space<hbm>> -> memref<1024xf32, #tpu.memory_space<hbm>>
      %dma_wait3A_36 = tpu.memref_slice %arg3[%run_scoped3A_21, %mul3A_2] : memref<4x32768xf32, #tpu.memory_space<hbm>> -> memref<1x1024xf32, #tpu.memory_space<hbm>>
      %dma_wait3A_37 = tpu.memref_squeeze %dma_wait3A_36 : memref<1x1024xf32, #tpu.memory_space<hbm>> -> memref<1024xf32, #tpu.memory_space<hbm>>
      %dma_wait3A_38 = arith.constant 0 : i32
      %dma_wait3A_39 = tpu.memref_slice %arg5[%run_scoped3A_20, %dma_wait3A_38] : memref<4x1024xf32, #tpu.memory_space<vmem>> -> memref<1x1024xf32, #tpu.memory_space<vmem>>
      %dma_wait3A_40 = tpu.memref_squeeze %dma_wait3A_39 : memref<1x1024xf32, #tpu.memory_space<vmem>> -> memref<1024xf32, #tpu.memory_space<vmem>>
      tpu.wait_dma2 semaphore(%run_scoped3A_22 : memref<!tpu.dma_semaphore, #tpu.memory_space<semaphore_mem>>) src(%dma_wait3A_40 : memref<1024xf32, #tpu.memory_space<vmem>>) dst(%dma_wait3A_37 : memref<1024xf32, #tpu.memory_space<hbm>>)
      tpu.yield
    }) : () -> ()
    return
  }
}

module attributes {stable_mosaic.version = 14 : i64} {
  func.func @_logits_kernel(%arg0: i32, %arg1: memref<64x1024xf32, #tpu.memory_space<vmem>>, %arg2: memref<64x4xf32, #tpu.memory_space<vmem>>, %arg3: memref<4x1024xf32, #tpu.memory_space<vmem>>, %arg4: memref<4x64xf32, #tpu.memory_space<vmem>>) attributes {dimension_semantics = [#tpu.dimension_semantics<arbitrary>], iteration_bounds = array<i64: 32>, scalar_prefetch = 0 : i64, scratch_operands = 1 : i64, tpu.core_type = #tpu.core_type<tc>, window_params = [{transform_indices = @transform_0, window_bounds = array<i64: 64, 1024>}, {pipeline_mode = #tpu.pipeline_mode<synchronous>, transform_indices = @transform_1, window_bounds = array<i64: 64, 4>}, {transform_indices = @transform_2, window_bounds = array<i64: 4, 1024>}]} {
    %eq3A = arith.constant 0 : i32
    %eq3A_0 = arith.cmpi eq, %arg0, %eq3A : i32
    %convert_element_type3A = arith.extui %eq3A_0 : i1 to i32
    %cond3A = arith.constant 0 : i32
    %cond3A_1 = arith.cmpi ne, %convert_element_type3A, %cond3A : i32
    scf.if %cond3A_1 {
      %get3A_10 = arith.constant 0 : index
      %get3A_11 = arith.constant 0 : index
      %get3A_12 = vector.load %arg2[%get3A_10, %get3A_11] : memref<64x4xf32, #tpu.memory_space<vmem>>, vector<64x4xf32>
      %transpose3A = tpu.transpose %get3A_12, [1, 0] : vector<64x4xf32> -> vector<4x64xf32>
      %swap3A_13 = arith.constant 0 : index
      %swap3A_14 = arith.constant 0 : index
      %swap3A_15 = vector.load %arg4[%swap3A_13, %swap3A_14] : memref<4x64xf32, #tpu.memory_space<vmem>>, vector<4x64xf32>
      tpu.vector_store %arg4[%swap3A_13, %swap3A_14], %transpose3A {strides = array<i32>} : memref<4x64xf32, #tpu.memory_space<vmem>>, vector<4x64xf32>,
    } else {
    }
    %get3A = arith.constant 0 : index
    %get3A_2 = arith.constant 0 : index
    %get3A_3 = vector.load %arg4[%get3A, %get3A_2] : memref<4x64xf32, #tpu.memory_space<vmem>>, vector<4x64xf32>
    %get3A_4 = arith.constant 0 : index
    %get3A_5 = arith.constant 0 : index
    %get3A_6 = vector.load %arg1[%get3A_4, %get3A_5] : memref<64x1024xf32, #tpu.memory_space<vmem>>, vector<64x1024xf32>
    %dot_general3A = arith.constant dense<0.000000e+00> : vector<4x1024xf32>
    %dot_general3A_7 = tpu.matmul %get3A_3, %get3A_6, %dot_general3A {dimension_numbers = #tpu.dot_dimension_numbers<[1], [0], [0], [1], [0, 0, 1, 1], [], []>, transpose_lhs_hint = false} : vector<4x64xf32>, vector<64x1024xf32>, vector<4x1024xf32> -> vector<4x1024xf32>
    %swap3A = arith.constant 0 : index
    %swap3A_8 = arith.constant 0 : index
    %swap3A_9 = vector.load %arg3[%swap3A, %swap3A_8] : memref<4x1024xf32, #tpu.memory_space<vmem>>, vector<4x1024xf32>
    tpu.vector_store %arg3[%swap3A, %swap3A_8], %dot_general3A_7 {strides = array<i32>} : memref<4x1024xf32, #tpu.memory_space<vmem>>, vector<4x1024xf32>,
    return
  }
  func.func @transform_0(%arg0: i32) -> (i32, i32) {
    %c0_i32 = arith.constant 0 : i32
    %c0_i32_0 = arith.constant 0 : i32
    return %c0_i32, %arg0 : i32, i32
  }
  func.func @transform_1(%arg0: i32) -> (i32, i32) {
    %c0_i32 = arith.constant 0 : i32
    %c0_i32_0 = arith.constant 0 : i32
    %c0_i32_1 = arith.constant 0 : i32
    return %c0_i32, %c0_i32_0 : i32, i32
  }
  func.func @transform_2(%arg0: i32) -> (i32, i32) {
    %c0_i32 = arith.constant 0 : i32
    %c0_i32_0 = arith.constant 0 : i32
    return %c0_i32, %arg0 : i32, i32
  }
}

module attributes {stable_mosaic.version = 14 : i64} {
  func.func @_ffn_kernel(%arg0: i32, %arg1: memref<64x1024xf32, #tpu.memory_space<vmem>>, %arg2: memref<4x1024xf32, #tpu.memory_space<vmem>>, %arg3: memref<4x64x128xf32, #tpu.memory_space<vmem>>, %arg4: memref<4x128xf32, #tpu.memory_space<vmem>>, %arg5: memref<4x64x128xf32, #tpu.memory_space<vmem>>, %arg6: memref<4x64xf32, #tpu.memory_space<vmem>>, %arg7: memref<64x1024xf32, #tpu.memory_space<vmem>>, %arg8: memref<512x64xf32, #tpu.memory_space<vmem>>, %arg9: memref<256x512xf32, #tpu.memory_space<vmem>>, %arg10: memref<512x1xf32, #tpu.memory_space<vmem>>, %arg11: memref<256x1xf32, #tpu.memory_space<vmem>>) attributes {dimension_semantics = [#tpu.dimension_semantics<arbitrary>], iteration_bounds = array<i64: 32>, scalar_prefetch = 0 : i64, scratch_operands = 4 : i64, tpu.core_type = #tpu.core_type<tc>, window_params = [{transform_indices = @transform_0, window_bounds = array<i64: 64, 1024>}, {transform_indices = @transform_1, window_bounds = array<i64: 4, 1024>}, {pipeline_mode = #tpu.pipeline_mode<synchronous>, transform_indices = @transform_2, window_bounds = array<i64: 4, 64, 128>}, {pipeline_mode = #tpu.pipeline_mode<synchronous>, transform_indices = @transform_3, window_bounds = array<i64: 4, 128>}, {pipeline_mode = #tpu.pipeline_mode<synchronous>, transform_indices = @transform_4, window_bounds = array<i64: 4, 64, 128>}, {pipeline_mode = #tpu.pipeline_mode<synchronous>, transform_indices = @transform_5, window_bounds = array<i64: 4, 64>}, {transform_indices = @transform_6, window_bounds = array<i64: 64, 1024>}]} {
    %eq3A = arith.constant 0 : i32
    %eq3A_0 = arith.cmpi eq, %arg0, %eq3A : i32
    %convert_element_type3A = arith.extui %eq3A_0 : i1 to i32
    %cond3A = arith.constant 0 : i32
    %cond3A_1 = arith.cmpi ne, %convert_element_type3A, %cond3A : i32
    scf.if %cond3A_1 {
      %broadcast_in_dim3A_66 = arith.constant 0.000000e+00 : f32
      %broadcast_in_dim3A_67 = vector.broadcast %broadcast_in_dim3A_66 : f32 to vector<256x512xf32>
      %swap3A_68 = arith.constant 0 : index
      %swap3A_69 = arith.constant 0 : index
      %swap3A_70 = vector.load %arg9[%swap3A_68, %swap3A_69] : memref<256x512xf32, #tpu.memory_space<vmem>>, vector<256x512xf32>
      tpu.vector_store %arg9[%swap3A_68, %swap3A_69], %broadcast_in_dim3A_67 {strides = array<i32>} : memref<256x512xf32, #tpu.memory_space<vmem>>, vector<256x512xf32>,
      %get3A_71 = arith.constant 0 : index
      %get3A_72 = arith.constant 0 : index
      %get3A_73 = arith.constant 0 : index
      %get3A_74 = vector.load %arg3[%get3A_71, %get3A_72, %get3A_73] : memref<4x64x128xf32, #tpu.memory_space<vmem>>, vector<1x64x128xf32>
      %get3A_75 = vector.shape_cast %get3A_74 : vector<1x64x128xf32> to vector<64x128xf32>
      %transpose3A = tpu.transpose %get3A_75, [1, 0] : vector<64x128xf32> -> vector<128x64xf32>
      %swap3A_76 = arith.constant 0 : index
      %swap3A_77 = arith.constant 0 : index
      %swap3A_78 = vector.load %arg8[%swap3A_76, %swap3A_77] : memref<512x64xf32, #tpu.memory_space<vmem>>, vector<128x64xf32>
      tpu.vector_store %arg8[%swap3A_76, %swap3A_77], %transpose3A {strides = array<i32>} : memref<512x64xf32, #tpu.memory_space<vmem>>, vector<128x64xf32>,
      %get3A_79 = arith.constant 0 : index
      %get3A_80 = arith.constant 0 : index
      %get3A_81 = arith.constant 0 : index
      %get3A_82 = vector.load %arg5[%get3A_79, %get3A_80, %get3A_81] : memref<4x64x128xf32, #tpu.memory_space<vmem>>, vector<1x64x128xf32>
      %get3A_83 = vector.shape_cast %get3A_82 : vector<1x64x128xf32> to vector<64x128xf32>
      %swap3A_84 = arith.constant 0 : index
      %swap3A_85 = arith.constant 0 : index
      %swap3A_86 = vector.load %arg9[%swap3A_84, %swap3A_85] : memref<256x512xf32, #tpu.memory_space<vmem>>, vector<64x128xf32>
      tpu.vector_store %arg9[%swap3A_84, %swap3A_85], %get3A_83 {strides = array<i32>} : memref<256x512xf32, #tpu.memory_space<vmem>>, vector<64x128xf32>,
      %get3A_87 = arith.constant 0 : index
      %get3A_88 = arith.constant 0 : index
      %get3A_89 = vector.load %arg4[%get3A_87, %get3A_88] : memref<4x128xf32, #tpu.memory_space<vmem>>, vector<1x128xf32>
      %transpose3A_90 = tpu.transpose %get3A_89, [1, 0] : vector<1x128xf32> -> vector<128x1xf32>
      %swap3A_91 = arith.constant 0 : index
      %swap3A_92 = arith.constant 0 : index
      %swap3A_93 = vector.load %arg10[%swap3A_91, %swap3A_92] : memref<512x1xf32, #tpu.memory_space<vmem>>, vector<128x1xf32>
      tpu.vector_store %arg10[%swap3A_91, %swap3A_92], %transpose3A_90 {strides = array<i32>} : memref<512x1xf32, #tpu.memory_space<vmem>>, vector<128x1xf32>,
      %get3A_94 = arith.constant 0 : index
      %get3A_95 = arith.constant 0 : index
      %get3A_96 = vector.load %arg6[%get3A_94, %get3A_95] : memref<4x64xf32, #tpu.memory_space<vmem>>, vector<1x64xf32>
      %transpose3A_97 = tpu.transpose %get3A_96, [1, 0] : vector<1x64xf32> -> vector<64x1xf32>
      %swap3A_98 = arith.constant 0 : index
      %swap3A_99 = arith.constant 0 : index
      %swap3A_100 = vector.load %arg11[%swap3A_98, %swap3A_99] : memref<256x1xf32, #tpu.memory_space<vmem>>, vector<64x1xf32>
      tpu.vector_store %arg11[%swap3A_98, %swap3A_99], %transpose3A_97 {strides = array<i32>} : memref<256x1xf32, #tpu.memory_space<vmem>>, vector<64x1xf32>,
      %get3A_101 = arith.constant 1 : index
      %get3A_102 = arith.constant 0 : index
      %get3A_103 = arith.constant 0 : index
      %get3A_104 = vector.load %arg3[%get3A_101, %get3A_102, %get3A_103] : memref<4x64x128xf32, #tpu.memory_space<vmem>>, vector<1x64x128xf32>
      %get3A_105 = vector.shape_cast %get3A_104 : vector<1x64x128xf32> to vector<64x128xf32>
      %transpose3A_106 = tpu.transpose %get3A_105, [1, 0] : vector<64x128xf32> -> vector<128x64xf32>
      %swap3A_107 = arith.constant 128 : index
      %swap3A_108 = arith.constant 0 : index
      %swap3A_109 = vector.load %arg8[%swap3A_107, %swap3A_108] : memref<512x64xf32, #tpu.memory_space<vmem>>, vector<128x64xf32>
      tpu.vector_store %arg8[%swap3A_107, %swap3A_108], %transpose3A_106 {strides = array<i32>} : memref<512x64xf32, #tpu.memory_space<vmem>>, vector<128x64xf32>,
      %get3A_110 = arith.constant 1 : index
      %get3A_111 = arith.constant 0 : index
      %get3A_112 = arith.constant 0 : index
      %get3A_113 = vector.load %arg5[%get3A_110, %get3A_111, %get3A_112] : memref<4x64x128xf32, #tpu.memory_space<vmem>>, vector<1x64x128xf32>
      %get3A_114 = vector.shape_cast %get3A_113 : vector<1x64x128xf32> to vector<64x128xf32>
      %swap3A_115 = arith.constant 64 : index
      %swap3A_116 = arith.constant 128 : index
      %swap3A_117 = vector.load %arg9[%swap3A_115, %swap3A_116] : memref<256x512xf32, #tpu.memory_space<vmem>>, vector<64x128xf32>
      tpu.vector_store %arg9[%swap3A_115, %swap3A_116], %get3A_114 {strides = array<i32>} : memref<256x512xf32, #tpu.memory_space<vmem>>, vector<64x128xf32>,
      %get3A_118 = arith.constant 1 : index
      %get3A_119 = arith.constant 0 : index
      %get3A_120 = vector.load %arg4[%get3A_118, %get3A_119] : memref<4x128xf32, #tpu.memory_space<vmem>>, vector<1x128xf32>
      %transpose3A_121 = tpu.transpose %get3A_120, [1, 0] : vector<1x128xf32> -> vector<128x1xf32>
      %swap3A_122 = arith.constant 128 : index
      %swap3A_123 = arith.constant 0 : index
      %swap3A_124 = vector.load %arg10[%swap3A_122, %swap3A_123] : memref<512x1xf32, #tpu.memory_space<vmem>>, vector<128x1xf32>
      tpu.vector_store %arg10[%swap3A_122, %swap3A_123], %transpose3A_121 {strides = array<i32>} : memref<512x1xf32, #tpu.memory_space<vmem>>, vector<128x1xf32>,
      %get3A_125 = arith.constant 1 : index
      %get3A_126 = arith.constant 0 : index
      %get3A_127 = vector.load %arg6[%get3A_125, %get3A_126] : memref<4x64xf32, #tpu.memory_space<vmem>>, vector<1x64xf32>
      %transpose3A_128 = tpu.transpose %get3A_127, [1, 0] : vector<1x64xf32> -> vector<64x1xf32>
      %swap3A_129 = arith.constant 64 : index
      %swap3A_130 = arith.constant 0 : index
      %swap3A_131 = vector.load %arg11[%swap3A_129, %swap3A_130] : memref<256x1xf32, #tpu.memory_space<vmem>>, vector<64x1xf32>
      tpu.vector_store %arg11[%swap3A_129, %swap3A_130], %transpose3A_128 {strides = array<i32>} : memref<256x1xf32, #tpu.memory_space<vmem>>, vector<64x1xf32>,
      %get3A_132 = arith.constant 2 : index
      %get3A_133 = arith.constant 0 : index
      %get3A_134 = arith.constant 0 : index
      %get3A_135 = vector.load %arg3[%get3A_132, %get3A_133, %get3A_134] : memref<4x64x128xf32, #tpu.memory_space<vmem>>, vector<1x64x128xf32>
      %get3A_136 = vector.shape_cast %get3A_135 : vector<1x64x128xf32> to vector<64x128xf32>
      %transpose3A_137 = tpu.transpose %get3A_136, [1, 0] : vector<64x128xf32> -> vector<128x64xf32>
      %swap3A_138 = arith.constant 256 : index
      %swap3A_139 = arith.constant 0 : index
      %swap3A_140 = vector.load %arg8[%swap3A_138, %swap3A_139] : memref<512x64xf32, #tpu.memory_space<vmem>>, vector<128x64xf32>
      tpu.vector_store %arg8[%swap3A_138, %swap3A_139], %transpose3A_137 {strides = array<i32>} : memref<512x64xf32, #tpu.memory_space<vmem>>, vector<128x64xf32>,
      %get3A_141 = arith.constant 2 : index
      %get3A_142 = arith.constant 0 : index
      %get3A_143 = arith.constant 0 : index
      %get3A_144 = vector.load %arg5[%get3A_141, %get3A_142, %get3A_143] : memref<4x64x128xf32, #tpu.memory_space<vmem>>, vector<1x64x128xf32>
      %get3A_145 = vector.shape_cast %get3A_144 : vector<1x64x128xf32> to vector<64x128xf32>
      %swap3A_146 = arith.constant 128 : index
      %swap3A_147 = arith.constant 256 : index
      %swap3A_148 = vector.load %arg9[%swap3A_146, %swap3A_147] : memref<256x512xf32, #tpu.memory_space<vmem>>, vector<64x128xf32>
      tpu.vector_store %arg9[%swap3A_146, %swap3A_147], %get3A_145 {strides = array<i32>} : memref<256x512xf32, #tpu.memory_space<vmem>>, vector<64x128xf32>,
      %get3A_149 = arith.constant 2 : index
      %get3A_150 = arith.constant 0 : index
      %get3A_151 = vector.load %arg4[%get3A_149, %get3A_150] : memref<4x128xf32, #tpu.memory_space<vmem>>, vector<1x128xf32>
      %transpose3A_152 = tpu.transpose %get3A_151, [1, 0] : vector<1x128xf32> -> vector<128x1xf32>
      %swap3A_153 = arith.constant 256 : index
      %swap3A_154 = arith.constant 0 : index
      %swap3A_155 = vector.load %arg10[%swap3A_153, %swap3A_154] : memref<512x1xf32, #tpu.memory_space<vmem>>, vector<128x1xf32>
      tpu.vector_store %arg10[%swap3A_153, %swap3A_154], %transpose3A_152 {strides = array<i32>} : memref<512x1xf32, #tpu.memory_space<vmem>>, vector<128x1xf32>,
      %get3A_156 = arith.constant 2 : index
      %get3A_157 = arith.constant 0 : index
      %get3A_158 = vector.load %arg6[%get3A_156, %get3A_157] : memref<4x64xf32, #tpu.memory_space<vmem>>, vector<1x64xf32>
      %transpose3A_159 = tpu.transpose %get3A_158, [1, 0] : vector<1x64xf32> -> vector<64x1xf32>
      %swap3A_160 = arith.constant 128 : index
      %swap3A_161 = arith.constant 0 : index
      %swap3A_162 = vector.load %arg11[%swap3A_160, %swap3A_161] : memref<256x1xf32, #tpu.memory_space<vmem>>, vector<64x1xf32>
      tpu.vector_store %arg11[%swap3A_160, %swap3A_161], %transpose3A_159 {strides = array<i32>} : memref<256x1xf32, #tpu.memory_space<vmem>>, vector<64x1xf32>,
      %get3A_163 = arith.constant 3 : index
      %get3A_164 = arith.constant 0 : index
      %get3A_165 = arith.constant 0 : index
      %get3A_166 = vector.load %arg3[%get3A_163, %get3A_164, %get3A_165] : memref<4x64x128xf32, #tpu.memory_space<vmem>>, vector<1x64x128xf32>
      %get3A_167 = vector.shape_cast %get3A_166 : vector<1x64x128xf32> to vector<64x128xf32>
      %transpose3A_168 = tpu.transpose %get3A_167, [1, 0] : vector<64x128xf32> -> vector<128x64xf32>
      %swap3A_169 = arith.constant 384 : index
      %swap3A_170 = arith.constant 0 : index
      %swap3A_171 = vector.load %arg8[%swap3A_169, %swap3A_170] : memref<512x64xf32, #tpu.memory_space<vmem>>, vector<128x64xf32>
      tpu.vector_store %arg8[%swap3A_169, %swap3A_170], %transpose3A_168 {strides = array<i32>} : memref<512x64xf32, #tpu.memory_space<vmem>>, vector<128x64xf32>,
      %get3A_172 = arith.constant 3 : index
      %get3A_173 = arith.constant 0 : index
      %get3A_174 = arith.constant 0 : index
      %get3A_175 = vector.load %arg5[%get3A_172, %get3A_173, %get3A_174] : memref<4x64x128xf32, #tpu.memory_space<vmem>>, vector<1x64x128xf32>
      %get3A_176 = vector.shape_cast %get3A_175 : vector<1x64x128xf32> to vector<64x128xf32>
      %swap3A_177 = arith.constant 192 : index
      %swap3A_178 = arith.constant 384 : index
      %swap3A_179 = vector.load %arg9[%swap3A_177, %swap3A_178] : memref<256x512xf32, #tpu.memory_space<vmem>>, vector<64x128xf32>
      tpu.vector_store %arg9[%swap3A_177, %swap3A_178], %get3A_176 {strides = array<i32>} : memref<256x512xf32, #tpu.memory_space<vmem>>, vector<64x128xf32>,
      %get3A_180 = arith.constant 3 : index
      %get3A_181 = arith.constant 0 : index
      %get3A_182 = vector.load %arg4[%get3A_180, %get3A_181] : memref<4x128xf32, #tpu.memory_space<vmem>>, vector<1x128xf32>
      %transpose3A_183 = tpu.transpose %get3A_182, [1, 0] : vector<1x128xf32> -> vector<128x1xf32>
      %swap3A_184 = arith.constant 384 : index
      %swap3A_185 = arith.constant 0 : index
      %swap3A_186 = vector.load %arg10[%swap3A_184, %swap3A_185] : memref<512x1xf32, #tpu.memory_space<vmem>>, vector<128x1xf32>
      tpu.vector_store %arg10[%swap3A_184, %swap3A_185], %transpose3A_183 {strides = array<i32>} : memref<512x1xf32, #tpu.memory_space<vmem>>, vector<128x1xf32>,
      %get3A_187 = arith.constant 3 : index
      %get3A_188 = arith.constant 0 : index
      %get3A_189 = vector.load %arg6[%get3A_187, %get3A_188] : memref<4x64xf32, #tpu.memory_space<vmem>>, vector<1x64xf32>
      %transpose3A_190 = tpu.transpose %get3A_189, [1, 0] : vector<1x64xf32> -> vector<64x1xf32>
      %swap3A_191 = arith.constant 192 : index
      %swap3A_192 = arith.constant 0 : index
      %swap3A_193 = vector.load %arg11[%swap3A_191, %swap3A_192] : memref<256x1xf32, #tpu.memory_space<vmem>>, vector<64x1xf32>
      tpu.vector_store %arg11[%swap3A_191, %swap3A_192], %transpose3A_190 {strides = array<i32>} : memref<256x1xf32, #tpu.memory_space<vmem>>, vector<64x1xf32>,
    } else {
    }
    %get3A = arith.constant 0 : index
    %get3A_2 = arith.constant 0 : index
    %get3A_3 = vector.load %arg1[%get3A, %get3A_2] : memref<64x1024xf32, #tpu.memory_space<vmem>>, vector<64x1024xf32>
    %get3A_4 = arith.constant 0 : index
    %get3A_5 = arith.constant 0 : index
    %get3A_6 = vector.load %arg2[%get3A_4, %get3A_5] : memref<4x1024xf32, #tpu.memory_space<vmem>>, vector<4x1024xf32>
    %get3A_7 = arith.constant 0 : index
    %get3A_8 = arith.constant 0 : index
    %get3A_9 = vector.load %arg8[%get3A_7, %get3A_8] : memref<512x64xf32, #tpu.memory_space<vmem>>, vector<512x64xf32>
    %dot_general3A = arith.constant dense<0.000000e+00> : vector<512x1024xf32>
    %dot_general3A_10 = tpu.matmul %get3A_9, %get3A_3, %dot_general3A {dimension_numbers = #tpu.dot_dimension_numbers<[1], [0], [0], [1], [0, 0, 1, 1], [], []>, transpose_lhs_hint = false} : vector<512x64xf32>, vector<64x1024xf32>, vector<512x1024xf32> -> vector<512x1024xf32>
    %get3A_11 = arith.constant 0 : index
    %get3A_12 = arith.constant 0 : index
    %get3A_13 = vector.load %arg10[%get3A_11, %get3A_12] : memref<512x1xf32, #tpu.memory_space<vmem>>, vector<512x1xf32>
    %add3A = vector.broadcast %get3A_13 : vector<512x1xf32> to vector<512x1024xf32>
    %add3A_14 = arith.addf %dot_general3A_10, %add3A : vector<512x1024xf32>
    %max3A = arith.constant 0.000000e+00 : f32
    %max3A_15 = vector.broadcast %max3A : f32 to vector<512x1024xf32>
    %max3A_16 = arith.maximumf %add3A_14, %max3A_15 : vector<512x1024xf32>
    %get3A_17 = arith.constant 0 : index
    %get3A_18 = arith.constant 0 : index
    %get3A_19 = vector.load %arg9[%get3A_17, %get3A_18] : memref<256x512xf32, #tpu.memory_space<vmem>>, vector<256x512xf32>
    %dot_general3A_20 = arith.constant dense<0.000000e+00> : vector<256x1024xf32>
    %dot_general3A_21 = tpu.matmul %get3A_19, %max3A_16, %dot_general3A_20 {dimension_numbers = #tpu.dot_dimension_numbers<[1], [0], [0], [1], [0, 0, 1, 1], [], []>, transpose_lhs_hint = false} : vector<256x512xf32>, vector<512x1024xf32>, vector<256x1024xf32> -> vector<256x1024xf32>
    %iota3A = tpu.iota {dimensions = array<i32: 0>} : vector<256x4xi32>
    %jit3A = arith.constant 64 : i32
    %div3A = vector.broadcast %jit3A : i32 to vector<256x4xi32>
    %div3A_22 = arith.divsi %iota3A, %div3A : vector<256x4xi32>
    %sign3A = arith.constant 0 : i32
    %sign3A_23 = vector.broadcast %sign3A : i32 to vector<256x4xi32>
    %sign3A_24 = arith.cmpi sgt, %iota3A, %sign3A_23 : vector<256x4xi32>
    %sign3A_25 = arith.extui %sign3A_24 : vector<256x4xi1> to vector<256x4xi32>
    %sign3A_26 = arith.constant 0 : i32
    %sign3A_27 = vector.broadcast %sign3A_26 : i32 to vector<256x4xi32>
    %sign3A_28 = arith.cmpi slt, %iota3A, %sign3A_27 : vector<256x4xi32>
    %sign3A_29 = arith.extui %sign3A_28 : vector<256x4xi1> to vector<256x4xi32>
    %sign3A_30 = arith.subi %sign3A_25, %sign3A_29 : vector<256x4xi32>
    %sign3A_31 = arith.constant 0 : i32
    %sign3A_32 = arith.cmpi sgt, %jit3A, %sign3A_31 : i32
    %sign3A_33 = arith.extui %sign3A_32 : i1 to i32
    %sign3A_34 = arith.constant 0 : i32
    %sign3A_35 = arith.cmpi slt, %jit3A, %sign3A_34 : i32
    %sign3A_36 = arith.extui %sign3A_35 : i1 to i32
    %sign3A_37 = arith.subi %sign3A_33, %sign3A_36 : i32
    %ne3A = vector.broadcast %sign3A_37 : i32 to vector<256x4xi32>
    %ne3A_38 = arith.cmpi ne, %sign3A_30, %ne3A : vector<256x4xi32>
    %rem3A = vector.broadcast %jit3A : i32 to vector<256x4xi32>
    %rem3A_39 = arith.remsi %iota3A, %rem3A : vector<256x4xi32>
    %ne3A_40 = arith.constant 0 : i32
    %ne3A_41 = vector.broadcast %ne3A_40 : i32 to vector<256x4xi32>
    %ne3A_42 = arith.cmpi ne, %rem3A_39, %ne3A_41 : vector<256x4xi32>
    %and3A = arith.andi %ne3A_38, %ne3A_42 : vector<256x4xi1>
    %sub3A = arith.constant 1 : i32
    %sub3A_43 = vector.broadcast %sub3A : i32 to vector<256x4xi32>
    %sub3A_44 = arith.subi %div3A_22, %sub3A_43 : vector<256x4xi32>
    %select_n3A = arith.select %and3A, %sub3A_44, %div3A_22 : vector<256x4xi1>, vector<256x4xi32>
    %iota3A_45 = tpu.iota {dimensions = array<i32: 1>} : vector<256x4xi32>
    %eq3A_46 = arith.cmpi eq, %select_n3A, %iota3A_45 : vector<256x4xi32>
    %jit3A_47 = arith.constant 1.000000e+00 : f32
    %jit3A_48 = arith.constant 0.000000e+00 : f32
    %broadcast_in_dim3A = vector.broadcast %jit3A_47 : f32 to vector<256x4xf32>
    %broadcast_in_dim3A_49 = vector.broadcast %jit3A_48 : f32 to vector<256x4xf32>
    %select_n3A_50 = arith.select %eq3A_46, %broadcast_in_dim3A, %broadcast_in_dim3A_49 : vector<256x4xi1>, vector<256x4xf32>
    %dot_general3A_51 = arith.constant dense<0.000000e+00> : vector<256x1024xf32>
    %dot_general3A_52 = tpu.matmul %select_n3A_50, %get3A_6, %dot_general3A_51 {dimension_numbers = #tpu.dot_dimension_numbers<[1], [0], [0], [1], [0, 0, 1, 1], [], []>, transpose_lhs_hint = false} : vector<256x4xf32>, vector<4x1024xf32>, vector<256x1024xf32> -> vector<256x1024xf32>
    %get3A_53 = arith.constant 0 : index
    %get3A_54 = arith.constant 0 : index
    %get3A_55 = vector.load %arg11[%get3A_53, %get3A_54] : memref<256x1xf32, #tpu.memory_space<vmem>>, vector<256x1xf32>
    %add3A_56 = vector.broadcast %get3A_55 : vector<256x1xf32> to vector<256x1024xf32>
    %add3A_57 = arith.addf %dot_general3A_21, %add3A_56 : vector<256x1024xf32>
    %mul3A = arith.mulf %add3A_57, %dot_general3A_52 : vector<256x1024xf32>
    %slice3A = vector.extract_strided_slice %mul3A {offsets = [0, 0], sizes = [64, 1024], strides = [1, 1]} : vector<256x1024xf32> to vector<64x1024xf32>
    %slice3A_58 = vector.extract_strided_slice %mul3A {offsets = [64, 0], sizes = [64, 1024], strides = [1, 1]} : vector<256x1024xf32> to vector<64x1024xf32>
    %add3A_59 = arith.addf %slice3A, %slice3A_58 : vector<64x1024xf32>
    %slice3A_60 = vector.extract_strided_slice %mul3A {offsets = [128, 0], sizes = [64, 1024], strides = [1, 1]} : vector<256x1024xf32> to vector<64x1024xf32>
    %add3A_61 = arith.addf %add3A_59, %slice3A_60 : vector<64x1024xf32>
    %slice3A_62 = vector.extract_strided_slice %mul3A {offsets = [192, 0], sizes = [64, 1024], strides = [1, 1]} : vector<256x1024xf32> to vector<64x1024xf32>
    %add3A_63 = arith.addf %add3A_61, %slice3A_62 : vector<64x1024xf32>
    %swap3A = arith.constant 0 : index
    %swap3A_64 = arith.constant 0 : index
    %swap3A_65 = vector.load %arg7[%swap3A, %swap3A_64] : memref<64x1024xf32, #tpu.memory_space<vmem>>, vector<64x1024xf32>
    tpu.vector_store %arg7[%swap3A, %swap3A_64], %add3A_63 {strides = array<i32>} : memref<64x1024xf32, #tpu.memory_space<vmem>>, vector<64x1024xf32>,
    return
  }
  func.func @transform_0(%arg0: i32) -> (i32, i32) {
    %c0_i32 = arith.constant 0 : i32
    %c0_i32_0 = arith.constant 0 : i32
    return %c0_i32, %arg0 : i32, i32
  }
  func.func @transform_1(%arg0: i32) -> (i32, i32) {
    %c0_i32 = arith.constant 0 : i32
    %c0_i32_0 = arith.constant 0 : i32
    return %c0_i32, %arg0 : i32, i32
  }
  func.func @transform_2(%arg0: i32) -> (i32, i32, i32) {
    %c0_i32 = arith.constant 0 : i32
    %c0_i32_0 = arith.constant 0 : i32
    %c0_i32_1 = arith.constant 0 : i32
    %c0_i32_2 = arith.constant 0 : i32
    return %c0_i32, %c0_i32_0, %c0_i32_1 : i32, i32, i32
  }
  func.func @transform_3(%arg0: i32) -> (i32, i32) {
    %c0_i32 = arith.constant 0 : i32
    %c0_i32_0 = arith.constant 0 : i32
    %c0_i32_1 = arith.constant 0 : i32
    return %c0_i32, %c0_i32_0 : i32, i32
  }
  func.func @transform_4(%arg0: i32) -> (i32, i32, i32) {
    %c0_i32 = arith.constant 0 : i32
    %c0_i32_0 = arith.constant 0 : i32
    %c0_i32_1 = arith.constant 0 : i32
    %c0_i32_2 = arith.constant 0 : i32
    return %c0_i32, %c0_i32_0, %c0_i32_1 : i32, i32, i32
  }
  func.func @transform_5(%arg0: i32) -> (i32, i32) {
    %c0_i32 = arith.constant 0 : i32
    %c0_i32_0 = arith.constant 0 : i32
    %c0_i32_1 = arith.constant 0 : i32
    return %c0_i32, %c0_i32_0 : i32, i32
  }
  func.func @transform_6(%arg0: i32) -> (i32, i32) {
    %c0_i32 = arith.constant 0 : i32
    %c0_i32_0 = arith.constant 0 : i32
    return %c0_i32, %arg0 : i32, i32
  }
}

</mosaic_0001>

<sc_bundles>
// kernel: kernel.5.cloned.1.call-start
scs
__scs_entry_jumppad:
0x0: {  	(pc) =	sbr.rel $0x88, $3  }
0x1: {  	(tag) =	ssettag $0x0;
	lr =	simm.s32 $0x1  }
0x2: {  	[smem:$0x3F9B] =	sst lr;
	_ =	strace $0xD0000000  }
0x3: {  	_ = 	snop  }
0x4: {  	_ = 	snop  }
0x5: {  	_ = 	snop  }
0x6: {  	_ = 	snop  }
0x7: {  	_ = 	snop  }
__scs_overlays_trampoline_lowered:
0x8: {  	[smem:$0x3FAA] =	sst s0  }
0x9: {  	[smem:$0x3FAB] =	sst s1  }
0xa: {  	[smem:$0x3FAC] =	sst s2  }
0xb: {  	[smem:$0x3FAD] =	sst s3  }
0xc: {  	[smem:$0x3FAE] =	sst s4  }
0xd: {  	[smem:$0x3FAF] =	sst s5  }
0xe: {  	[smem:$0x3FB0] =	sst s6  }
0xf: {  	[smem:$0x3FB1] =	sst s7  }
0x10: {  	[smem:$0x3FB2] =	sst s8  }
0x11: {  	[smem:$0x3FB3] =	sst s9;
	s0 =	simm.s32 @!p0 $0x0  }
0x12: {  	s1 =	sld [smem:$0x3F99];
	s0 =	simm.s32 @p0 $0x1  }
0x13: {  	[smem:$0x3FB4] =	sst s0;
	s0 =	simm.s32 @!p1 $0x0  }
0x14: {  	s2 =	sld [smem:$0x3F98];
	s0 =	simm.s32 @p1 $0x1  }
0x15: {  	[smem:$0x3FB5] =	sst s0;
	s0 =	simm.s32 @!p2 $0x0  }
0x16: {  	s3 =	sld [smem:$0x3FDB];
	s0 =	simm.s32 @p2 $0x1  }
0x17: {  	s4 =	simm.s32 $0x1BF5;
	[smem:$0x3FB7] =	sst s0  }
0x18: {  	s0 =	sld [smem:$0x3F9A];
	_ =	swait.ge [sflag:s4], $0x0  }
0x19: {  	s7 =	sld [smem:$0x3F9B]  }
0x1a: {  	s8 =	sadd.s32 $0xFFFFE003, lr  }
0x1b: {  	s9 =	sadd.s32 $0xFFFFFEF7, lr;
	s5 =	simm.s32 $0xFFFFFFFF;
	p2 =	slt.u32 s8, $0xFFFFF086  }
0x1c: {  	p1 =	slt.u32 s9, $0xF7A;
	s5 =	simm.s32 @!p2 $0x0  }
0x1d: {  	s5 =	simm.s32 @p1 $0x1;
	p0 =	seq.s32 s7, s2  }
0x1e: {  	s7 =	smul.u32 @!p0 $0xF7A, s2;
	p2 =	seq.s32 @!p0 s5, $0x0  }
0x1f: {  	s9 =	smul.u32 $0xF7A, s1;
	s8 =	simm.s32 @!p0 $0x1BF5;
	p2 =	por !p2, p0  }
0x20: {  	[sflag:s8] =	ssyncset.s32 @!p0 $0xFFFFF086;
	s6 =	sadd.s32 @!p0 s3, s7;
	s7 =	simm.s32 @!p0 $0x108  }
0x21: {  	s3 =	sadd.s32 s3, s9;
	s6 =	sadd.s32 @!p0 $0x88, s6;
	s7 =	simm.s32 @p2 $0x1082  }
0x22: {  	[simem:s7], [sflag:s8] =	dma.local @!p0 [hbm:s6], $0xF7A  }
0x23: {  	s9 =	sor.u32 $0xD0000000, s2;
	s6 =	simm.s32 $0x108;
	_ =	swait.ge @!p0 [sflag:s8], $0x0  }
0x24: {  	s3 =	sadd.s32 $0x88, s3;
	s6 =	simm.s32 @!p1 $0x1082;
	[sflag:s4] =	ssyncset.s32 $0xFFFFF086  }
0x25: {  	[simem:s6], [sflag:s4] =	dma.local [hbm:s3], $0xF7A  }
0x26: {  	[smem:$0x3F9B] =	sst s1;
	(tag) =	ssettag s2;
	_ =	strace s9  }
0x27: {  	s1 =	sld [smem:$0x3FAB]  }
0x28: {  	s2 =	sld [smem:$0x3FAC]  }
0x29: {  	s4 =	sld [smem:$0x3FAE]  }
0x2a: {  	p0 =	seq.s32 s5, $0x0;
	s5 =	sld [smem:$0x3FAF]  }
0x2b: {  	s6 =	sld [smem:$0x3FB0]  }
0x2c: {  	s7 =	sld [smem:$0x3FB1]  }
0x2d: {  	s3 =	simm.s32 $0x108;
	s8 =	sld [smem:$0x3FB2]  }
0x2e: {  	s3 =	simm.s32 @!p0 $0x1082;
	s9 =	sld [smem:$0x3FB3]  }
0x2f: {  	lr =	sadd.s32 s0, s3;
	s0 =	sld [smem:$0x3FAA]  }
0x30: {  	s3 =	sld [smem:$0x3FAD]  }
0x31: {  	[smem:$0x3FB6] =	sst s10  }
0x32: {  	s10 =	sld [smem:$0x3FB4];
	_ =	sdelay $0x3  }
0x33: {  	p0 =	seq.s32 s10, $0x1;
	s10 =	sld [smem:$0x3FB6];
	_ =	sdelay $0x3  }
0x34: {  	[smem:$0x3FB6] =	sst s10  }
0x35: {  	s10 =	sld [smem:$0x3FB5];
	_ =	sdelay $0x3  }
0x36: {  	p1 =	seq.s32 s10, $0x1;
	s10 =	sld [smem:$0x3FB6];
	_ =	sdelay $0x3  }
0x37: {  	[smem:$0x3FB6] =	sst s10  }
0x38: {  	s10 =	sld [smem:$0x3FB7]  }
0x39: {  	_ = 	snop;
	(pc) =	sbr.ind lr, $3  }
0x3a: {  	_ = 	snop  }
0x3b: {  	_ = 	snop  }
0x3c: {  	p2 =	seq.s32 s10, $0x1;
	s10 =	sld [smem:$0x3FB6]  }
0x3d: {  	_ =	shalt  }
0x3e: {  	_ =	shalt  }
0x3f: {  	_ =	shalt  }
0x40: {  	_ =	shalt  }
0x41: {  	_ =	shalt  }
0x42: {  	_ =	shalt  }
0x43: {  	_ =	shalt  }
0x44: {  	_ =	shalt  }
0x45: {  	_ =	shalt  }
0x46: {  	_ =	shalt  }
0x47: {  	_ =	shalt  }
0x48: {  	_ =	shalt  }
0x49: {  	_ =	shalt  }
0x4a: {  	_ =	shalt  }
0x4b: {  	_ =	shalt  }
0x4c: {  	_ =	shalt  }
0x4d: {  	_ =	shalt  }
0x4e: {  	_ =	shalt  }
0x4f: {  	_ =	shalt  }
0x50: {  	_ =	shalt  }
0x51: {  	_ =	shalt  }
0x52: {  	_ =	shalt  }
0x53: {  	_ =	shalt  }
0x54: {  	_ =	shalt  }
0x55: {  	_ =	shalt  }
0x56: {  	_ =	shalt  }
0x57: {  	_ =	shalt  }
0x58: {  	_ =	shalt  }
0x59: {  	_ =	shalt  }
0x5a: {  	_ =	shalt  }
0x5b: {  	_ =	shalt  }
0x5c: {  	_ =	shalt  }
0x5d: {  	_ =	shalt  }
0x5e: {  	_ =	shalt  }
0x5f: {  	_ =	shalt  }
0x60: {  	_ =	shalt  }
0x61: {  	_ =	shalt  }
0x62: {  	_ =	shalt  }
0x63: {  	_ =	shalt  }
0x64: {  	_ =	shalt  }
0x65: {  	_ =	shalt  }
0x66: {  	_ =	shalt  }
0x67: {  	_ =	shalt  }
0x68: {  	_ =	shalt  }
0x69: {  	_ =	shalt  }
0x6a: {  	_ =	shalt  }
0x6b: {  	_ =	shalt  }
0x6c: {  	_ =	shalt  }
0x6d: {  	_ =	shalt  }
0x6e: {  	_ =	shalt  }
0x6f: {  	_ =	shalt  }
0x70: {  	_ =	shalt  }
0x71: {  	_ =	shalt  }
0x72: {  	_ =	shalt  }
0x73: {  	_ =	shalt  }
0x74: {  	_ =	shalt  }
0x75: {  	_ =	shalt  }
0x76: {  	_ =	shalt  }
0x77: {  	_ =	shalt  }
0x78: {  	_ =	shalt  }
0x79: {  	_ =	shalt  }
0x7a: {  	_ =	shalt  }
0x7b: {  	_ =	shalt  }
0x7c: {  	_ =	shalt  }
0x7d: {  	_ =	shalt  }
0x7e: {  	_ =	shalt  }
0x7f: {  	_ =	shalt  }
0x80: {  	_ =	shalt  }
0x81: {  	_ =	shalt  }
0x82: {  	_ =	shalt  }
0x83: {  	_ =	shalt  }
0x84: {  	_ =	shalt  }
0x85: {  	_ =	shalt  }
0x86: {  	_ =	shalt  }
0x87: {  	_ =	shalt  }
.Lfunc_end0:
.L_simem_size_0:
called_computation_lowered:
.L_overlay_start_0:
0x88: {  	s2 =	sld [smem:$0x3FD9]  }
0x89: {  	s3 =	sld [smem:$0x3FFE];
	_ =	sdelay $0x1  }
0x8a: {  	s1 =	srdreg.scid  }
0x8b: {  	s0 =	sand.u32 $0x1, s1  }
0x8c: {  	s17 =	sshll.u32 s0, $0xA;
	s2 =	sadd.s32 s3, s2  }
0x8d: {  	s2 =	sadd.s32 s2, s17  }
0x8e: {  	[smem:$0x3FC2] =	sst s2  }
0x8f: {  	_ = 	snop  }
0x90: {  	s2 =	sld [smem:$0x3FD0];
	(tm) =	ssettm $0x1  }
0x91: {  	s18 =	sld [smem:$0x3FFB];
	_ =	sdelay $0x3  }
0x92: {  	_ =	strace s18  }
0x93: {  	s3 =	sld [smem:$0x3FFC];
	_ =	sdelay $0x3  }
0x94: {  	_ =	strace s3  }
0x95: {  	s3 =	sld [smem:$0x3FFD];
	_ =	sdelay $0x3  }
0x96: {  	_ =	strace s3  }
0x97: {  	_ =	strace $0x8FFFFFFF  }
0x98: {  	s19 =	sld [smem:$0x3FDB];
	_ =	sdelay $0x1  }
0x99: {  	s4 =	simm.s32 $_scs_section_size  }
0x9a: {  	s5 =	simm.s32 $_size__tile_overlayer_lowered;
	s6 =	simm.s32 $_tile_overlayer_lowered  }
0x9b: {  	s22 =	simm.s32 $0x1BFF;
	s21 =	sshll.u32 s6, $0x1;
	s3 =	sadd.s32 s4, s19  }
0x9c: {  	s7 =	simm.s32 $0x0;
	s20 =	sshll.u32 s5, $0x1;
	s5 =	sadd.s32 s21, s3  }
0x9d: {  	[timem:s7], [sflag:s22] =	dma.local [hbm:s5], s20  }
0x9e: {  	_ =	swait.ge [sflag:s22], s20  }
0x9f: {  	s4 =	ssub.s32 $0x0, s20;
	[sflag:s22] =	ssyncset.done $0x0  }
0xa0: {  	[sflag:s22] =	ssyncadd.s32 s4;
	_ =	sdelay $0x1  }
0xa1: {  	s23 =	simm.s32 $0x1B8B  }
0xa2: {  	_ =	swait.ge [sflag:s23], $0x1  }
0xa3: {  	[sflag:s23] =	ssyncset.done $0x0  }
0xa4: {  	s25 =	simm.s32 $0x1B8E;
	s24 =	sld [smem:$0x3FFE];
	[sflag:s23] =	ssyncadd.s32 $0xFFFFFFFF  }
0xa5: {  	s26 =	simm.s32 $execute0_lowered;
	[smem:$0x3FD2] =	sst s25  }
0xa6: {  	s5 =	sshll.u32 s26, $0x1;
	_ =	strace $0x80000046;
	[dreg:$0x1] =	wrdreg $0xFFFFFFFF  }
0xa7: {  	s28 =	simm.s32 $_size_execute0_lowered;
	s3 =	sadd.s32 s3, s5;
	[dreg:$0x0] =	wrdreg $0x0  }
0xa8: {  	s5 =	sshll.u32 s28, $0x1;
	[dreg:$0x2] =	wrdreg s3  }
0xa9: {  	[dreg:$0x3] =	wrdreg s5  }
0xaa: {  	[dreg:$0x4] =	wrdreg $0xC0  }
0xab: {  	_ =	task [dreg:s7], $0x5FFFF  }
0xac: {  	[dreg:$0x1] =	wrdreg $0xFFFFFFFF  }
0xad: {  	[dreg:$0x0] =	wrdreg $0x60  }
0xae: {  	[dreg:$0x2] =	wrdreg s2  }
0xaf: {  	[dreg:$0x3] =	wrdreg s24  }
0xb0: {  	[dreg:$0x4] =	wrdreg $0x9  }
0xb1: {  	_ =	task.clear_ibuf [dreg:s7], $0x5FFFF;
	_ =	strace $0x90000046  }
0xb2: {  	s29 =	simm.s32 $0x9;
	_ =	strace $0x80000048  }
0xb3: {  	_ =	swait.ge [sflag:s29], $0x1  }
0xb4: {  	[sflag:s29] =	ssyncadd.s32 $0xFFFFFFFF  }
0xb5: {  	_ =	strace $0x90000048  }
0xb6: {  	_ =	sfence  }
0xb7: {  	s30 =	sld [smem:$0x0];
	_ =	sdelay $0x2  }
0xb8: {  	s31 =	sshll.u32 s1, $0xD;
	s1 =	sshrl.u32 s1, $0x2  }
0xb9: {  	s3 =	sand.u32 $0x4000, s31;
	s1 =	sadd.s32 s1, s30  }
0xba: {  	s0 =	sor.u32 s3, s0;
	s1 =	sshll.u32 s1, $0x11  }
0xbb: {  	s0 =	sor.u32 s1, s0  }
0xbc: {  	s0 =	sadd.s32 $0x8F2B, s0  }
0xbd: {  	[sflag:s0] =	ssyncadd.remote.s32 $0x1  }
0xbe: {  	_ =	sfence.sel $0xFFFF  }
0xbf: {  	[dreg:$0x0] =	wrdreg $0xFFFFFFFF;
	(pc) =	sbr.abs _section_cstart, $3  }
0xc0: {  	[dreg:$0x1] =	wrdreg $0xFFFFFFFF  }
0xc1: {  	_ =	task.clear_ibuf [dreg:s7], $0x2FFFF;
	_ =	strace $0x9FFFFFFF  }
0xc2: {  	(tm) =	ssettm $0x7FFFFFFF  }
0xc3: {  	_ =	shalt  }
tec
execute0_lowered:
.L_overlay_start_1:
0x0: {  	(tag) =	ssettag $0x1  }
0x1: {  	s0 =	rddreg [dreg:$0x0]  }
0x2: {  	s2 =	rddreg [dreg:$0x1]  }
0x3: {  	s1 =	simm.s32 $0x0;
	s3 =	srdreg.scid;
	s6 =	stileid.u32  }
0x4: {  	s26 =	simm.s32 $0x1;
	s25 =	simm.s32 $0x1780;
	s28 =	simm.s32 $0x1980  }
0x5: {  	s29 =	simm.s32 $0x1B80;
	s30 =	simm.s32 $0x1D80;
	s31 =	simm.s32 $0x1F80  }
0x6: {  	[smem:$0x7FF] =	sst s1;
	s3 =	sand.u32 $0x1, s3;
	s6 =	sshll.u32 s6, $0xA  }
0x7: {  	s2 =	sadd.s32 $0x1200, s2;
	s4 =	ssub.s32 $0x2, s3;
	s3 =	sshll.u32 s3, $0x9  }
0x8: {  	_ =	strace $0x80000047;
	s5 =	sshrl.u32 s4, $0x1;
	s7 =	sor.u32 s3, s6  }
0x9: {  	s11 =	ssub.s32 s4, s5;
	s3 =	sadd.s32 s0, s7;
	s8 =	sor.u32 $0x10, s7  }
0xa: {  	s9 =	sor.u32 $0x20, s7;
	s10 =	sor.u32 $0x30, s7;
	s7 =	sadd.s32 s2, s7  }
0xb: {  	s4 =	sadd.s32 s0, s8;
	s5 =	sadd.s32 s0, s9;
	s6 =	sadd.s32 s0, s10  }
0xc: {  	s8 =	sadd.s32 s2, s8;
	s9 =	sadd.s32 s2, s9;
	s10 =	sadd.s32 s2, s10  }
0xd: {  	s11 =	smax.u32 s11, $0x1;
	s12 =	sadd.s32 $0x40, s3;
	s13 =	sadd.s32 $0x80, s3  }
0xe: {  	s14 =	sadd.s32 $0xC0, s3;
	s15 =	sadd.s32 $0x100, s3;
	s16 =	sadd.s32 $0x140, s3  }
0xf: {  	v0 =	vimm.s32 $0x3;
	s17 =	sadd.s32 $0x180, s3;
	s18 =	sadd.s32 $0x1C0, s3;
	s0 =	simm.s32 $0x0  }
.LBB2_1:
0x10: {  	[tilespmem:s1], [sflag:$0x1] =	stream.linear.gather [hbm4b:s3+s1], $0x80, $0x38;
	[tilespmem:$0x2000] =	vst v63  }
0x11: {  	s2 =	simm.s32 $0x200  }
0x12: {  	[tilespmem:s2], [sflag:$0x1] =	stream.linear.gather [hbm4b:s12+s1], $0x80, $0x38;
	[tilespmem:$0x2000] =	vst v63  }
0x13: {  	s21 =	simm.s32 $0x400  }
0x14: {  	[tilespmem:s21], [sflag:$0x1] =	stream.linear.gather [hbm4b:s13+s1], $0x80, $0x38;
	[tilespmem:$0x2000] =	vst v63  }
0x15: {  	s22 =	simm.s32 $0x600  }
0x16: {  	[tilespmem:s22], [sflag:$0x1] =	stream.linear.gather [hbm4b:s14+s1], $0x80, $0x38;
	[tilespmem:$0x2000] =	vst v63  }
0x17: {  	s23 =	simm.s32 $0x800  }
0x18: {  	[tilespmem:s23], [sflag:$0x1] =	stream.linear.gather [hbm4b:s15+s1], $0x80, $0x38;
	[tilespmem:$0x2000] =	vst v63  }
0x19: {  	s24 =	simm.s32 $0xA00  }
0x1a: {  	[tilespmem:s24], [sflag:$0x1] =	stream.linear.gather [hbm4b:s16+s1], $0x80, $0x38;
	[tilespmem:$0x2000] =	vst v63  }
0x1b: {  	s19 =	simm.s32 $0xC00  }
0x1c: {  	[tilespmem:s19], [sflag:$0x1] =	stream.linear.gather [hbm4b:s17+s1], $0x80, $0x38;
	[tilespmem:$0x2000] =	vst v63  }
0x1d: {  	s20 =	simm.s32 $0xE00  }
0x1e: {  	[tilespmem:s20], [sflag:$0x1] =	stream.linear.gather [hbm4b:s18+s1], $0x80, $0x38;
	[tilespmem:$0x2000] =	vst v63  }
0x1f: {  	_ =	swait.ge [sflag:s26], $0x400  }
0x20: {  	[sflag:s26] =	ssyncset.done $0x0  }
0x21: {  	s21 =	simm.s32 $0x80;
	[sflag:s26] =	ssyncadd.s32 $0xFFFFFC00  }
0x22: {  	[tilespmem:s21], [sflag:$0x1] =	stream.linear.gather [hbm4b:s4+s1], $0x80, $0x38;
	[tilespmem:$0x2000] =	vst v63  }
0x23: {  	s22 =	sadd.s32 $0x40, s4;
	s19 =	simm.s32 $0x280  }
0x24: {  	[tilespmem:s19], [sflag:$0x1] =	stream.linear.gather [hbm4b:s22+s1], $0x80, $0x38;
	[tilespmem:$0x2000] =	vst v63  }
0x25: {  	s23 =	sadd.s32 $0x80, s4;
	s24 =	simm.s32 $0x480  }
0x26: {  	[tilespmem:s24], [sflag:$0x1] =	stream.linear.gather [hbm4b:s23+s1], $0x80, $0x38;
	[tilespmem:$0x2000] =	vst v63  }
0x27: {  	s20 =	simm.s32 $0x680;
	s19 =	sadd.s32 $0xC0, s4  }
0x28: {  	[tilespmem:s20], [sflag:$0x1] =	stream.linear.gather [hbm4b:s19+s1], $0x80, $0x38;
	[tilespmem:$0x2000] =	vst v63  }
0x29: {  	s21 =	sadd.s32 $0x100, s4;
	s22 =	simm.s32 $0x880  }
0x2a: {  	[tilespmem:s22], [sflag:$0x1] =	stream.linear.gather [hbm4b:s21+s1], $0x80, $0x38;
	[tilespmem:$0x2000] =	vst v63  }
0x2b: {  	s23 =	sadd.s32 $0x140, s4;
	s24 =	simm.s32 $0xA80  }
0x2c: {  	[tilespmem:s24], [sflag:$0x1] =	stream.linear.gather [hbm4b:s23+s1], $0x80, $0x38;
	[tilespmem:$0x2000] =	vst v63  }
0x2d: {  	s20 =	sadd.s32 $0x180, s4;
	s21 =	simm.s32 $0xC80  }
0x2e: {  	[tilespmem:s21], [sflag:$0x1] =	stream.linear.gather [hbm4b:s20+s1], $0x80, $0x38;
	[tilespmem:$0x2000] =	vst v63  }
0x2f: {  	s22 =	sadd.s32 $0x1C0, s4;
	s23 =	simm.s32 $0xE80  }
0x30: {  	[tilespmem:s23], [sflag:$0x1] =	stream.linear.gather [hbm4b:s22+s1], $0x80, $0x38;
	[tilespmem:$0x2000] =	vst v63  }
0x31: {  	_ =	swait.ge [sflag:s26], $0x400  }
0x32: {  	[sflag:s26] =	ssyncset.done $0x0  }
0x33: {  	s24 =	simm.s32 $0x100;
	[sflag:s26] =	ssyncadd.s32 $0xFFFFFC00  }
0x34: {  	[tilespmem:s24], [sflag:$0x1] =	stream.linear.gather [hbm4b:s5+s1], $0x80, $0x38;
	[tilespmem:$0x2000] =	vst v63  }
0x35: {  	s19 =	sadd.s32 $0x40, s5;
	s20 =	simm.s32 $0x300  }
0x36: {  	[tilespmem:s20], [sflag:$0x1] =	stream.linear.gather [hbm4b:s19+s1], $0x80, $0x38;
	[tilespmem:$0x2000] =	vst v63  }
0x37: {  	s21 =	sadd.s32 $0x80, s5;
	s22 =	simm.s32 $0x500  }
0x38: {  	[tilespmem:s22], [sflag:$0x1] =	stream.linear.gather [hbm4b:s21+s1], $0x80, $0x38;
	[tilespmem:$0x2000] =	vst v63  }
0x39: {  	s23 =	sadd.s32 $0xC0, s5;
	s24 =	simm.s32 $0x700  }
0x3a: {  	[tilespmem:s24], [sflag:$0x1] =	stream.linear.gather [hbm4b:s23+s1], $0x80, $0x38;
	[tilespmem:$0x2000] =	vst v63  }
0x3b: {  	s19 =	sadd.s32 $0x100, s5;
	s20 =	simm.s32 $0x900  }
0x3c: {  	[tilespmem:s20], [sflag:$0x1] =	stream.linear.gather [hbm4b:s19+s1], $0x80, $0x38;
	[tilespmem:$0x2000] =	vst v63  }
0x3d: {  	s21 =	sadd.s32 $0x140, s5;
	s22 =	simm.s32 $0xB00  }
0x3e: {  	[tilespmem:s22], [sflag:$0x1] =	stream.linear.gather [hbm4b:s21+s1], $0x80, $0x38;
	[tilespmem:$0x2000] =	vst v63  }
0x3f: {  	s23 =	sadd.s32 $0x180, s5;
	s24 =	simm.s32 $0xD00  }
0x40: {  	[tilespmem:s24], [sflag:$0x1] =	stream.linear.gather [hbm4b:s23+s1], $0x80, $0x38;
	[tilespmem:$0x2000] =	vst v63  }
0x41: {  	s20 =	sadd.s32 $0x1C0, s5;
	s21 =	simm.s32 $0xF00  }
0x42: {  	[tilespmem:s21], [sflag:$0x1] =	stream.linear.gather [hbm4b:s20+s1], $0x80, $0x38;
	[tilespmem:$0x2000] =	vst v63  }
0x43: {  	_ =	swait.ge [sflag:s26], $0x400  }
0x44: {  	[sflag:s26] =	ssyncset.done $0x0  }
0x45: {  	s22 =	simm.s32 $0x180;
	[sflag:s26] =	ssyncadd.s32 $0xFFFFFC00  }
0x46: {  	[tilespmem:s22], [sflag:$0x1] =	stream.linear.gather [hbm4b:s6+s1], $0x80, $0x38;
	[tilespmem:$0x2000] =	vst v63  }
0x47: {  	s23 =	sadd.s32 $0x40, s6;
	s24 =	simm.s32 $0x380  }
0x48: {  	[tilespmem:s24], [sflag:$0x1] =	stream.linear.gather [hbm4b:s23+s1], $0x80, $0x38;
	[tilespmem:$0x2000] =	vst v63  }
0x49: {  	s19 =	sadd.s32 $0x80, s6;
	s20 =	simm.s32 $0x580  }
0x4a: {  	[tilespmem:s20], [sflag:$0x1] =	stream.linear.gather [hbm4b:s19+s1], $0x80, $0x38;
	[tilespmem:$0x2000] =	vst v63  }
0x4b: {  	s21 =	sadd.s32 $0xC0, s6;
	s22 =	simm.s32 $0x780  }
0x4c: {  	[tilespmem:s22], [sflag:$0x1] =	stream.linear.gather [hbm4b:s21+s1], $0x80, $0x38;
	[tilespmem:$0x2000] =	vst v63  }
0x4d: {  	s23 =	sadd.s32 $0x100, s6;
	s24 =	simm.s32 $0x980  }
0x4e: {  	[tilespmem:s24], [sflag:$0x1] =	stream.linear.gather [hbm4b:s23+s1], $0x80, $0x38;
	[tilespmem:$0x2000] =	vst v63  }
0x4f: {  	s19 =	sadd.s32 $0x140, s6;
	s20 =	simm.s32 $0xB80  }
0x50: {  	[tilespmem:s20], [sflag:$0x1] =	stream.linear.gather [hbm4b:s19+s1], $0x80, $0x38;
	[tilespmem:$0x2000] =	vst v63  }
0x51: {  	s21 =	sadd.s32 $0x180, s6;
	s22 =	simm.s32 $0xD80  }
0x52: {  	[tilespmem:s22], [sflag:$0x1] =	stream.linear.gather [hbm4b:s21+s1], $0x80, $0x38;
	[tilespmem:$0x2000] =	vst v63  }
0x53: {  	s23 =	sadd.s32 $0x1C0, s6;
	s24 =	simm.s32 $0xF80  }
0x54: {  	[tilespmem:s24], [sflag:$0x1] =	stream.linear.gather [hbm4b:s23+s1], $0x80, $0x38;
	[tilespmem:$0x2000] =	vst v63  }
0x55: {  	_ =	swait.ge [sflag:s26], $0x400  }
0x56: {  	s20 =	sand.u32 $0x70, s1;
	s21 =	sand.u32 $0xE00, s1;
	[sflag:s26] =	ssyncset.done $0x0  }
0x57: {  	s2 =	sor.u32 s20, s21;
	[sflag:s26] =	ssyncadd.s32 $0xFFFFFC00  }
0x58: {  	v1 =	vld [tilespmem:s2+$0x0]  }
0x59: {  	v2 =	vld [tilespmem:s2+$0x80]  }
0x5a: {  	v3 =	vld [tilespmem:s2+$0x100]  }
0x5b: {  	v4 =	vld [tilespmem:s2+$0x180];
	_ =	sdelay $0x4  }
0x5c: {  	v5 =	vmax.f32 v1, v2;
	v6 =	vmax.f32 v3, v4  }
0x5d: {  	v5 =	vmax.f32 v5, v6  }
0x5e: {  	vm0 =	veq.f32 v3, v5  }
0x5f: {  	vm2 =	veq.f32 v2, v5;
	v6 =	vsel vm0, $0x2, v0  }
0x60: {  	vm0 =	vne.f32 v1, v5;
	v6 =	vsel vm2, $0x1, v6  }
0x61: {  	s22 =	simm.s32 $0x10;
	s20 =	simm.s32 $0x40;
	v6 =	vnsel vm0, $0x0, v6  }
0x62: {  	s19 =	sand.u32 $0x70, s22;
	s20 =	sand.u32 $0xE00, s20;
	vm1 =	veq.s32 v6, $0x2  }
0x63: {  	s19 =	sor.u32 s19, s20;
	v7 =	vnsel vm0, $0xFF800000, v1;
	vm2 =	vmand vm0, vm2;
	v8 =	vsel vm1, $0xFF800000, v3  }
0x64: {  	v10 =	vld [tilespmem:s19+$0x100];
	v9 =	vsel vm2, $0xFF800000, v2;
	vm3 =	veq.s32 v6, $0x3;
	v2 =	vmax.f32 v8, v4  }
0x65: {  	v11 =	vld [tilespmem:s19+$0x180];
	v4 =	vmax.f32 v7, v9;
	v2 =	vsel vm3, v3, v2  }
0x66: {  	v1 =	vld [tilespmem:s19+$0x0];
	v12 =	vmax.f32 v4, v2  }
0x67: {  	v6 =	vld [tilespmem:s19+$0x80];
	v2 =	vsub.f32 v12, v5;
	_ =	sdelay $0x1  }
0x68: {  	v2 =	vmul.f32 $1.442695020e+00, v2;
	_ =	sdelay $0x1  }
0x69: {  	(erf) = vpow2.f32 v2  }
0x6a: {  	v3 =	vmax.f32 v10, v11;
	v2 =	vmax.f32 v1, v6  }
0x6b: {  	v13 =	vmax.f32 v2, v3  }
0x6c: {  	vm4 =	veq.f32 v10, v13  }
0x6d: {  	s21 =	simm.s32 $0x80;
	s23 =	simm.s32 $0x20;
	vm5 =	veq.f32 v6, v13;
	v2 =	vsel vm4, $0x2, v0  }
0x6e: {  	s21 =	sand.u32 $0xE00, s21;
	s20 =	sand.u32 $0x70, s23;
	vm4 =	vne.f32 v1, v13;
	v2 =	vsel vm5, $0x1, v2  }
0x6f: {  	s20 =	sor.u32 s20, s21;
	v5 =	vnsel vm4, $0x0, v2  }
0x70: {  	v15 =	vld [tilespmem:s20+$0x100];
	vm8 =	veq.s32 v5, $0x2  }
0x71: {  	v16 =	vld [tilespmem:s20+$0x180];
	v4 =	vnsel vm4, $0xFF800000, v1;
	vm5 =	vmand vm4, vm5;
	v3 =	vsel vm8, $0xFF800000, v10  }
0x72: {  	v1 =	vld [tilespmem:s20+$0x0];
	v2 =	vsel vm5, $0xFF800000, v6;
	vm6 =	veq.s32 v5, $0x3;
	v5 =	vmax.f32 v3, v11;
	v11 =	vpop (erf)  }
0x73: {  	v6 =	vld [tilespmem:s20+$0x80];
	v14 =	vmax.f32 v4, v2;
	v5 =	vsel vm6, v10, v5;
	v10 =	vadd.f32 $1.000000000e+00, v11  }
0x74: {  	v5 =	vmax.f32 v14, v5  }
0x75: {  	vm7 =	vmmov vm0;
	v11 =	vsub.f32 v5, v13;
	(erf) = vrcp.f32 v10  }
0x76: {  	vm2 =	vmmov vm2;
	vm9 =	vmmov vm1;
	vm3 =	vmmov vm3  }
0x77: {  	vm13 =	vmmov vm3;
	vm3 =	vmmov vm2;
	v10 =	vmul.f32 $1.442695020e+00, v11  }
0x78: {  	vm11 =	veq.f32 v8, v12;
	v13 =	vmax.f32 v15, v16;
	v11 =	vmax.f32 v1, v6  }
0x79: {  	vm10 =	veq.f32 v9, v12;
	v11 =	vmax.f32 v11, v13;
	(erf) = vpow2.f32 v10  }
0x7a: {  	v9 =	vsel vm11, $0x2, v0;
	vm2 =	vmmov vm8;
	vm8 =	veq.f32 v15, v11  }
0x7b: {  	vm11 =	vne.f32 v7, v12;
	v7 =	vsel vm10, $0x1, v9;
	v8 =	vsel vm8, $0x2, v0  }
0x7c: {  	vm1 =	vmmov vm4;
	vm4 =	vmmov vm5;
	vm0 =	vmmov vm6  }
0x7d: {  	vm6 =	vmmov vm7;
	vm7 =	vmmov vm9;
	vm9 =	veq.f32 v6, v11  }
0x7e: {  	s22 =	simm.s32 $0xC0;
	s24 =	simm.s32 $0x30;
	v13 =	vnsel vm11, $0x0, v7;
	vm5 =	vne.f32 v1, v11;
	v10 =	vsel vm9, $0x1, v8;
	v8 =	vpop (erf)  }
0x7f: {  	s23 =	sand.u32 $0xE00, s22;
	s21 =	sand.u32 $0x70, s24;
	vm12 =	veq.s32 v13, $0x3;
	v9 =	vnsel vm5, $0x0, v10;
	v12 =	vsub.f32 $1.000000000e+00, v8  }
0x80: {  	s21 =	sor.u32 s21, s23;
	v1 =	vnsel vm5, $0xFF800000, v1;
	vm9 =	vmand vm5, vm9;
	vm8 =	veq.s32 v9, $0x2  }
0x81: {  	v14 =	vld [tilespmem:s21+$0x0];
	v6 =	vsel vm9, $0xFF800000, v6;
	v7 =	vsel vm8, $0xFF800000, v15;
	v17 =	vnsel vm12, $0x0, v12  }
0x82: {  	v10 =	vld [tilespmem:s21+$0x80];
	v18 =	vmax.f32 v7, v16;
	vm12 =	veq.s32 v9, $0x3;
	v19 =	vpop (erf);
	v20 =	vsel vm13, v8, v17  }
0x83: {  	s23 =	simm.s32 $0x40;
	v16 =	vmax.f32 v1, v6;
	v9 =	vld [tilespmem:s21+$0x100];
	v17 =	vsel vm12, v15, v18;
	v15 =	vadd.f32 $1.000000000e+00, v19;
	[tilespmem:s2+$0x1180] =	vst v20  }
.LBB2_2:
0x84: {  	v16 =	vmax.f32 v16, v17;
	vm10 =	vmand vm11, vm10  }
0x85: {  	p0 =	sne.s32 s23, $0x3F0;
	v18 =	vld [tilespmem:s21+$0x180];
	vm14 =	veq.s32 v13, $0x2;
	vm13 =	vmmov vm0;
	vm0 =	vmmov vm12  }
0x86: {  	v13 =	vsel vm11, $0x0, v12;
	v11 =	vsub.f32 v16, v11;
	(erf) = vrcp.f32 v15  }
0x87: {  	v13 =	vsel vm6, v13, v8;
	v15 =	vnsel vm10, $0x0, v12;
	v12 =	vnsel vm14, $0x0, v12  }
0x88: {  	v11 =	vmul.f32 $1.442695020e+00, v11;
	[tilespmem:s2+$0x1000] =	vst v13;
	v13 =	vsel vm3, v8, v15;
	v8 =	vsel vm7, v8, v12  }
0x89: {  	vm6 =	vmmov vm1;
	vm1 =	vmmov vm5;
	vm3 =	vmmov vm4;
	[tilespmem:s2+$0x1080] =	vst v13  }
0x8a: {  	v12 =	vmax.f32 v14, v10;
	v13 =	vmax.f32 v9, v18;
	(erf) = vpow2.f32 v11;
	[tilespmem:s2+$0x1100] =	vst v8;
	s2 =	smov.u32 s19;
	s19 =	smov.u32 s20;
	s20 =	smov.u32 s21  }
0x8b: {  	vm4 =	vmmov vm9;
	vm7 =	vmmov vm2;
	v11 =	vmax.f32 v12, v13  }
0x8c: {  	vm2 =	vmmov vm8;
	vm5 =	vne.f32 v14, v11;
	vm9 =	veq.f32 v10, v11  }
0x8d: {  	vm11 =	veq.f32 v3, v5;
	v3 =	vmovc v7;
	vm8 =	veq.f32 v9, v11;
	v14 =	vnsel vm5, $0xFF800000, v14  }
0x8e: {  	vm10 =	veq.f32 v2, v5;
	v2 =	vmovc v6;
	v12 =	vsel vm11, $0x2, v0;
	v7 =	vsel vm8, $0x2, v0  }
0x8f: {  	s22 =	sadd.s32 $0x40, s22;
	vm11 =	vne.f32 v4, v5;
	v6 =	vsel vm9, $0x1, v7;
	v7 =	vsel vm10, $0x1, v12;
	v8 =	vpop (erf)  }
.Ltmp0:
0x90: {  	s24 =	sand.u32 $0xE00, s22;
	s21 =	sand.u32 $0x70, s23;
	v5 =	vmovc v16;
	v4 =	vmovc v1;
	v15 =	vnsel vm5, $0x0, v6;
	v13 =	vnsel vm11, $0x0, v7;
	v12 =	vsub.f32 $1.000000000e+00, v8;
	(pc) =	sbr.rel @p0 .LBB2_2-.Ltmp0, $4  }
0x91: {  	s21 =	sor.u32 s21, s24;
	vm9 =	vmand vm5, vm9;
	v1 =	vmovc v14;
	vm8 =	veq.s32 v15, $0x2;
	vm12 =	veq.s32 v13, $0x3  }
0x92: {  	v6 =	vsel vm9, $0xFF800000, v10;
	v7 =	vsel vm8, $0xFF800000, v9;
	v14 =	vld [tilespmem:s21+$0x0];
	v16 =	vnsel vm12, $0x0, v12  }
0x93: {  	vm12 =	veq.s32 v15, $0x3;
	v15 =	vmax.f32 v7, v18;
	v10 =	vld [tilespmem:s21+$0x80];
	v18 =	vpop (erf);
	v19 =	vsel vm13, v8, v16  }
0x94: {  	s23 =	sadd.s32 $0x10, s23;
	v16 =	vmax.f32 v1, v6;
	v17 =	vsel vm12, v9, v15;
	v9 =	vld [tilespmem:s21+$0x100];
	v15 =	vadd.f32 $1.000000000e+00, v18;
	[tilespmem:s2+$0x1180] =	vst v19  }
0x95: {  	v18 =	vld [tilespmem:s21+$0x180];
	_ =	sdelay $0x1  }
0x96: {  	v16 =	vmax.f32 v16, v17  }
0x97: {  	v11 =	vsub.f32 v16, v11;
	_ =	sdelay $0x1  }
0x98: {  	v11 =	vmul.f32 $1.442695020e+00, v11;
	v36 =	vmax.f32 v14, v10;
	v19 =	vmax.f32 v9, v18  }
0x99: {  	(erf) = vrcp.f32 v15;
	v37 =	vmax.f32 v36, v19  }
0x9a: {  	(erf) = vpow2.f32 v11;
	vm13 =	veq.f32 v9, v37  }
0x9b: {  	vm15 =	veq.f32 v10, v37;
	v38 =	vsel vm13, $0x2, v0  }
0x9c: {  	vm14 =	vne.f32 v14, v37;
	v11 =	vsel vm15, $0x1, v38  }
0x9d: {  	v39 =	vimm.s32 $0x0;
	v40 =	vimm.s32 $0x0;
	v11 =	vnsel vm14, $0x0, v11  }
0x9e: {  	v14 =	vnsel vm14, $0xFF800000, v14;
	vm15 =	vmand vm14, vm15;
	vm13 =	veq.s32 v11, $0x2  }
0x9f: {  	v42 =	vsel vm15, $0xFF800000, v10;
	v17 =	vsel vm13, $0xFFFFFFFF, v39;
	v41 =	vsel vm13, $0xFF800000, v9  }
0xa0: {  	[tilespmem:$0x1FFF0] =	vst v17;
	v17 =	vsel vm15, $0xFFFFFFFF, v40;
	v18 =	vmax.f32 v41, v18;
	vm15 =	veq.s32 v11, $0x3  }
0xa1: {  	v43 =	vmax.f32 v14, v42;
	v44 =	vsel vm15, v9, v18  }
0xa2: {  	v45 =	vpop (erf);
	v9 =	vmax.f32 v43, v44  }
0xa3: {  	v46 =	vpop (erf);
	v15 =	vsub.f32 v9, v37  }
0xa4: {  	v11 =	vadd.f32 $1.000000000e+00, v46  }
0xa5: {  	v15 =	vmul.f32 $1.442695020e+00, v15  }
0xa6: {  	vm0 =	vmmov vm0;
	vm1 =	vmmov vm1;
	(erf) = vrcp.f32 v11  }
0xa7: {  	vm5 =	vmmov vm5;
	vm4 =	vmmov vm4;
	(erf) = vpow2.f32 v15  }
0xa8: {  	vm2 =	vmmov vm2;
	vm8 =	vmmov vm8;
	vm5 =	vmmov vm5  }
0xa9: {  	vm8 =	vmmov vm8;
	v48 =	vsub.f32 $1.000000000e+00, v45;
	vm13 =	vmand vm11, vm10  }
0xaa: {  	vm10 =	veq.f32 v3, v5;
	v3 =	vsel vm11, $0x0, v12;
	vm11 =	veq.s32 v13, $0x2  }
0xab: {  	v47 =	vsel vm10, $0x2, v0;
	vm10 =	veq.f32 v2, v5;
	v2 =	vsel vm6, v3, v8  }
0xac: {  	vm6 =	vne.f32 v4, v5;
	v49 =	vnsel vm13, $0x0, v12;
	v3 =	vsel vm10, $0x1, v47  }
0xad: {  	v50 =	vnsel vm11, $0x0, v12;
	v5 =	vsel vm3, v8, v49;
	v3 =	vnsel vm6, $0x0, v3  }
0xae: {  	v51 =	vsel vm7, v8, v50;
	vm3 =	vmmov vm12;
	vm7 =	vmmov vm9  }
0xaf: {  	vm12 =	vmand vm6, vm10;
	vm10 =	vmmov vm15;
	vm13 =	veq.s32 v3, $0x3;
	v53 =	vpop (erf)  }
0xb0: {  	v54 =	vsel vm6, $0x0, v48;
	v52 =	vnsel vm13, $0x0, v48;
	vm13 =	veq.s32 v3, $0x2;
	v3 =	vpop (erf)  }
0xb1: {  	vm3 =	vmmov vm3;
	v13 =	vsel vm1, v54, v45;
	v3 =	vadd.f32 $1.000000000e+00, v3  }
0xb2: {  	v58 =	vld [tilespmem:$0x1FFF0];
	v55 =	vnsel vm12, $0x0, v48;
	vm12 =	veq.f32 v7, v16;
	vm6 =	vne.f32 v1, v16  }
0xb3: {  	[tilespmem:$0x1FFE0] =	vst v17;
	vm1 =	vmmov vm14;
	vm7 =	vmmov vm7;
	(erf) = vrcp.f32 v3  }
0xb4: {  	v57 =	vld [tilespmem:$0x1FFE0];
	v56 =	vsel vm12, $0x2, v0;
	v4 =	vnsel vm13, $0x0, v48;
	vm13 =	veq.f32 v6, v16  }
0xb5: {  	vm11 =	veq.f32 v42, v9;
	vm1 =	vmmov vm1;
	v1 =	vsel vm13, $0x1, v56  }
0xb6: {  	[tilespmem:s2+$0x1000] =	vst v2;
	v11 =	vsel vm0, v45, v52;
	v1 =	vnsel vm6, $0x0, v1;
	v2 =	vsub.f32 $1.000000000e+00, v53  }
0xb7: {  	[tilespmem:s2+$0x1080] =	vst v5;
	vm12 =	vnez.u8 v58;
	vm13 =	vmand vm6, vm13;
	vm15 =	veq.s32 v1, $0x3  }
0xb8: {  	[tilespmem:s2+$0x1100] =	vst v51;
	v59 =	vnsel vm15, $0x0, v2;
	vm15 =	vmmov vm10;
	vm10 =	veq.f32 v41, v9  }
0xb9: {  	[tilespmem:s19+$0x1000] =	vst v13;
	v15 =	vsel vm4, v45, v55;
	vm14 =	vnez.u8 v57;
	v60 =	vsel vm10, $0x2, v0  }
0xba: {  	[tilespmem:s19+$0x1180] =	vst v11;
	vm0 =	vmmov vm12;
	vm12 =	vne.f32 v14, v9;
	v5 =	vsel vm11, $0x1, v60  }
0xbb: {  	[tilespmem:s19+$0x1080] =	vst v15;
	v3 =	vsel vm2, v45, v4;
	vm2 =	vmmov vm14;
	v4 =	vsel vm3, v53, v59  }
0xbc: {  	vm14 =	veq.s32 v1, $0x2;
	v1 =	vsel vm6, $0x0, v2;
	v62 =	vnsel vm12, $0x0, v5;
	[tilespmem:s19+$0x1100] =	vst v3;
	v61 =	vpop (erf)  }
0xbd: {  	v1 =	vsel vm5, v1, v53;
	v3 =	vnsel vm13, $0x0, v2;
	[tilespmem:s20+$0x1180] =	vst v4;
	v63 =	vsub.f32 $1.000000000e+00, v61  }
0xbe: {  	v2 =	vnsel vm14, $0x0, v2;
	vm13 =	veq.s32 v62, $0x3;
	[tilespmem:s20+$0x1000] =	vst v1;
	v1 =	vsel vm7, v53, v3  }
0xbf: {  	vm2 =	vmmov vm2;
	v2 =	vsel vm8, v53, v2;
	[tilespmem:s20+$0x1080] =	vst v1;
	v1 =	vnsel vm13, $0x0, v63  }
0xc0: {  	vm14 =	vmand vm12, vm11;
	[tilespmem:s20+$0x1100] =	vst v2;
	v2 =	vsel vm12, $0x0, v63;
	v1 =	vsel vm15, v61, v1  }
0xc1: {  	vm15 =	veq.s32 v62, $0x2;
	[tilespmem:s21+$0x1180] =	vst v1;
	v1 =	vsel vm1, v2, v61;
	v2 =	vnsel vm14, $0x0, v63  }
0xc2: {  	vm0 =	vmmov vm0;
	v3 =	vnsel vm15, $0x0, v63;
	[tilespmem:s21+$0x1000] =	vst v1;
	v1 =	vsel vm2, v61, v2  }
0xc3: {  	v2 =	vsel vm0, v61, v3;
	[tilespmem:s21+$0x1080] =	vst v1  }
0xc4: {  	s20 =	simm.s32 $0x1000;
	[tilespmem:s21+$0x1100] =	vst v2  }
0xc5: {  	[hbm4b:s7+s1] =	stream.linear.scatter [tilespmem:s20], [sflag:$0x1], $0x80, $0x38;
	[tilespmem:$0x2000] =	vst v63  }
0xc6: {  	s22 =	simm.s32 $0x1200;
	s21 =	sadd.s32 $0x40, s7  }
0xc7: {  	[hbm4b:s21+s1] =	stream.linear.scatter [tilespmem:s22], [sflag:$0x1], $0x80, $0x38;
	[tilespmem:$0x2000] =	vst v63  }
0xc8: {  	s23 =	sadd.s32 $0x80, s7;
	s24 =	simm.s32 $0x1400  }
0xc9: {  	[hbm4b:s23+s1] =	stream.linear.scatter [tilespmem:s24], [sflag:$0x1], $0x80, $0x38;
	[tilespmem:$0x2000] =	vst v63  }
0xca: {  	s19 =	sadd.s32 $0xC0, s7;
	s20 =	simm.s32 $0x1600  }
0xcb: {  	[hbm4b:s19+s1] =	stream.linear.scatter [tilespmem:s20], [sflag:$0x1], $0x80, $0x38;
	[tilespmem:$0x2000] =	vst v63  }
0xcc: {  	s21 =	sadd.s32 $0x100, s7;
	s22 =	simm.s32 $0x1800  }
0xcd: {  	[hbm4b:s21+s1] =	stream.linear.scatter [tilespmem:s22], [sflag:$0x1], $0x80, $0x38;
	[tilespmem:$0x2000] =	vst v63  }
0xce: {  	s23 =	sadd.s32 $0x140, s7;
	s24 =	simm.s32 $0x1A00  }
0xcf: {  	[hbm4b:s23+s1] =	stream.linear.scatter [tilespmem:s24], [sflag:$0x1], $0x80, $0x38;
	[tilespmem:$0x2000] =	vst v63  }
0xd0: {  	s20 =	sadd.s32 $0x180, s7;
	s21 =	simm.s32 $0x1C00  }
0xd1: {  	[hbm4b:s20+s1] =	stream.linear.scatter [tilespmem:s21], [sflag:$0x1], $0x80, $0x38;
	[tilespmem:$0x2000] =	vst v63  }
0xd2: {  	s22 =	sadd.s32 $0x1C0, s7;
	s23 =	simm.s32 $0x1E00  }
0xd3: {  	[hbm4b:s22+s1] =	stream.linear.scatter [tilespmem:s23], [sflag:$0x1], $0x80, $0x38;
	[tilespmem:$0x2000] =	vst v63  }
0xd4: {  	_ =	swait.ge [sflag:s26], $0x400  }
0xd5: {  	[sflag:s26] =	ssyncset.done $0x0  }
0xd6: {  	s24 =	simm.s32 $0x1080;
	[sflag:s26] =	ssyncadd.s32 $0xFFFFFC00  }
0xd7: {  	[hbm4b:s8+s1] =	stream.linear.scatter [tilespmem:s24], [sflag:$0x1], $0x80, $0x38;
	[tilespmem:$0x2000] =	vst v63  }
0xd8: {  	s19 =	sadd.s32 $0x40, s8;
	s20 =	simm.s32 $0x1280  }
0xd9: {  	[hbm4b:s19+s1] =	stream.linear.scatter [tilespmem:s20], [sflag:$0x1], $0x80, $0x38;
	[tilespmem:$0x2000] =	vst v63  }
0xda: {  	s21 =	sadd.s32 $0x80, s8;
	s22 =	simm.s32 $0x1480  }
0xdb: {  	[hbm4b:s21+s1] =	stream.linear.scatter [tilespmem:s22], [sflag:$0x1], $0x80, $0x38;
	[tilespmem:$0x2000] =	vst v63  }
0xdc: {  	s23 =	sadd.s32 $0xC0, s8;
	s24 =	simm.s32 $0x1680  }
0xdd: {  	[hbm4b:s23+s1] =	stream.linear.scatter [tilespmem:s24], [sflag:$0x1], $0x80, $0x38;
	[tilespmem:$0x2000] =	vst v63  }
0xde: {  	s19 =	sadd.s32 $0x100, s8;
	s20 =	simm.s32 $0x1880  }
0xdf: {  	[hbm4b:s19+s1] =	stream.linear.scatter [tilespmem:s20], [sflag:$0x1], $0x80, $0x38;
	[tilespmem:$0x2000] =	vst v63  }
0xe0: {  	s21 =	sadd.s32 $0x140, s8;
	s22 =	simm.s32 $0x1A80  }
0xe1: {  	[hbm4b:s21+s1] =	stream.linear.scatter [tilespmem:s22], [sflag:$0x1], $0x80, $0x38;
	[tilespmem:$0x2000] =	vst v63  }
0xe2: {  	s23 =	sadd.s32 $0x180, s8;
	s24 =	simm.s32 $0x1C80  }
0xe3: {  	[hbm4b:s23+s1] =	stream.linear.scatter [tilespmem:s24], [sflag:$0x1], $0x80, $0x38;
	[tilespmem:$0x2000] =	vst v63  }
0xe4: {  	s20 =	sadd.s32 $0x1C0, s8;
	s21 =	simm.s32 $0x1E80  }
0xe5: {  	[hbm4b:s20+s1] =	stream.linear.scatter [tilespmem:s21], [sflag:$0x1], $0x80, $0x38;
	[tilespmem:$0x2000] =	vst v63  }
0xe6: {  	_ =	swait.ge [sflag:s26], $0x400  }
0xe7: {  	[sflag:s26] =	ssyncset.done $0x0  }
0xe8: {  	s22 =	simm.s32 $0x1100;
	[sflag:s26] =	ssyncadd.s32 $0xFFFFFC00  }
0xe9: {  	[hbm4b:s9+s1] =	stream.linear.scatter [tilespmem:s22], [sflag:$0x1], $0x80, $0x38;
	[tilespmem:$0x2000] =	vst v63  }
0xea: {  	s23 =	sadd.s32 $0x40, s9;
	s24 =	simm.s32 $0x1300  }
0xeb: {  	[hbm4b:s23+s1] =	stream.linear.scatter [tilespmem:s24], [sflag:$0x1], $0x80, $0x38;
	[tilespmem:$0x2000] =	vst v63  }
0xec: {  	s19 =	sadd.s32 $0x80, s9;
	s20 =	simm.s32 $0x1500  }
0xed: {  	[hbm4b:s19+s1] =	stream.linear.scatter [tilespmem:s20], [sflag:$0x1], $0x80, $0x38;
	[tilespmem:$0x2000] =	vst v63  }
0xee: {  	s21 =	sadd.s32 $0xC0, s9;
	s22 =	simm.s32 $0x1700  }
0xef: {  	[hbm4b:s21+s1] =	stream.linear.scatter [tilespmem:s22], [sflag:$0x1], $0x80, $0x38;
	[tilespmem:$0x2000] =	vst v63  }
0xf0: {  	s23 =	sadd.s32 $0x100, s9;
	s24 =	simm.s32 $0x1900  }
0xf1: {  	[hbm4b:s23+s1] =	stream.linear.scatter [tilespmem:s24], [sflag:$0x1], $0x80, $0x38;
	[tilespmem:$0x2000] =	vst v63  }
0xf2: {  	s19 =	sadd.s32 $0x140, s9;
	s20 =	simm.s32 $0x1B00  }
0xf3: {  	[hbm4b:s19+s1] =	stream.linear.scatter [tilespmem:s20], [sflag:$0x1], $0x80, $0x38;
	[tilespmem:$0x2000] =	vst v63  }
0xf4: {  	s21 =	sadd.s32 $0x180, s9;
	s22 =	simm.s32 $0x1D00  }
0xf5: {  	[hbm4b:s21+s1] =	stream.linear.scatter [tilespmem:s22], [sflag:$0x1], $0x80, $0x38;
	[tilespmem:$0x2000] =	vst v63  }
0xf6: {  	s23 =	sadd.s32 $0x1C0, s9;
	s24 =	simm.s32 $0x1F00  }
0xf7: {  	[hbm4b:s23+s1] =	stream.linear.scatter [tilespmem:s24], [sflag:$0x1], $0x80, $0x38;
	[tilespmem:$0x2000] =	vst v63  }
0xf8: {  	_ =	swait.ge [sflag:s26], $0x400  }
0xf9: {  	[sflag:s26] =	ssyncset.done $0x0  }
0xfa: {  	s20 =	simm.s32 $0x1180;
	[sflag:s26] =	ssyncadd.s32 $0xFFFFFC00  }
0xfb: {  	[hbm4b:s10+s1] =	stream.linear.scatter [tilespmem:s20], [sflag:$0x1], $0x80, $0x38;
	[tilespmem:$0x2000] =	vst v63  }
0xfc: {  	s21 =	sadd.s32 $0x40, s10;
	s22 =	simm.s32 $0x1380  }
0xfd: {  	[hbm4b:s21+s1] =	stream.linear.scatter [tilespmem:s22], [sflag:$0x1], $0x80, $0x38;
	[tilespmem:$0x2000] =	vst v63  }
0xfe: {  	s23 =	sadd.s32 $0x80, s10;
	s24 =	simm.s32 $0x1580  }
0xff: {  	[hbm4b:s23+s1] =	stream.linear.scatter [tilespmem:s24], [sflag:$0x1], $0x80, $0x38;
	[tilespmem:$0x2000] =	vst v63  }
0x100: {  	s20 =	sadd.s32 $0xC0, s10  }
0x101: {  	[hbm4b:s20+s1] =	stream.linear.scatter [tilespmem:s25], [sflag:$0x1], $0x80, $0x38;
	[tilespmem:$0x2000] =	vst v63  }
0x102: {  	s21 =	sadd.s32 $0x100, s10  }
0x103: {  	[hbm4b:s21+s1] =	stream.linear.scatter [tilespmem:s28], [sflag:$0x1], $0x80, $0x38;
	[tilespmem:$0x2000] =	vst v63  }
0x104: {  	s0 =	sadd.s32 $0x1, s0;
	s22 =	sadd.s32 $0x140, s10  }
0x105: {  	[hbm4b:s22+s1] =	stream.linear.scatter [tilespmem:s29], [sflag:$0x1], $0x80, $0x38;
	[tilespmem:$0x2000] =	vst v63  }
0x106: {  	p0 =	sne.s32 s0, s11;
	s23 =	sadd.s32 $0x180, s10  }
0x107: {  	[hbm4b:s23+s1] =	stream.linear.scatter [tilespmem:s30], [sflag:$0x1], $0x80, $0x38;
	[tilespmem:$0x2000] =	vst v63  }
.Ltmp1:
0x108: {  	s24 =	sadd.s32 $0x1C0, s10;
	(pc) =	sbr.rel @p0 .LBB2_1-.Ltmp1, $4  }
0x109: {  	[hbm4b:s24+s1] =	stream.linear.scatter [tilespmem:s31], [sflag:$0x1], $0x80, $0x38;
	[tilespmem:$0x2000] =	vst v63  }
0x10a: {  	_ =	swait.ge [sflag:s26], $0x400  }
0x10b: {  	[sflag:s26] =	ssyncset.done $0x0  }
0x10c: {  	[sflag:s26] =	ssyncadd.s32 $0xFFFFFC00  }
0x10d: {  	_ =	sfence.sel $0x180000  }
0x10e: {  	[bflag:$0x0] =	sbarrier.arrive $0xFFFF  }
0x10f: {  	_ =	strace $0x90000047  }
0x110: {  	s0 =	stileid.u32;
	[bflag:$0x2] =	sbarrier.arrive $0xFFFF  }
0x111: {  	p0 =	sne.s32 s0, $0x0;
	s0 =	rddreg [dreg:$0x2]  }
0x112: {  	s0 =	sadd.s32 @!p0 $0x100000, s0  }
0x113: {  	[sflag:s0] =	ssyncadd.tile.s32 @!p0 $0x1;
	_ =	shalt  }
.Lfunc_end2:
_tile_overlayer_lowered:
.L_overlay_start_2:
0x114: {  	(tag) =	ssettag $0x2  }
0x115: {  	s0 =	rddreg [dreg:$0x0];
	s2 =	stileid.u32  }
0x116: {  	s1 =	rddreg [dreg:$0x1];
	p0 =	sne.s32 s2, $0x0  }
0x117: {  	s3 =	rddreg [dreg:$0x2];
	[bflag:$0x3] =	sbarrier.arrive $0xFFFF;
	s2 =	simm.s32 @!p0 $0x1C01  }
0x118: {  	[timem:s3], [sflag:s2] =	dma.local @!p0 [hbm:s0], s1  }
0x119: {  	s0 =	simm.s32 @!p0 $0x1  }
0x11a: {  	_ =	swait.ge @!p0 [sflag:s0], s1  }
0x11b: {  	s1 =	ssub.s32 @!p0 $0x0, s1;
	[sflag:s0] =	ssyncset.done @!p0 $0x0  }
0x11c: {  	[sflag:s0] =	ssyncadd.s32 @!p0 s1  }
0x11d: {  	[bflag:$0x3] =	sbarrier.arrive $0xFFFF  }
0x11e: {  	_ =	shalt  }

</sc_bundles>
